<compile_context>
chip_gen: v7x
topology: tpu7x:2x2x1
jax: 0.10.2.dev20260603
libtpu: 0.0.44.dev20260713+nightly
codegen_flags: <defaults>
</compile_context>

<pallas_src>
import functools

import jax
import jax.numpy as jnp
from jax import lax
from jax.experimental import pallas as pl
from jax.experimental.pallas import tpu as pltpu
from jax.experimental.pallas import tpu_sc as plsc

NSEG = 10000
D = 128
N = 320000
NC = 2
NS = 16
NW = NC * NS
ROWS_PER_TILE = N // NW
CHUNK = 80
NCHUNK = ROWS_PER_TILE // CHUNK
NBUF = 3
PRO = 2
SEG_PER_TILE = NSEG // NS
CW = 16
NHROW = NSEG // CW
EXCHUNKS = [(k * 80, 80) for k in range(7)] + [(560, 65)]

_mesh = plsc.VectorSubcoreMesh(core_axis_name="c", subcore_axis_name="s")


@functools.partial(
    pl.kernel,
    mesh=_mesh,
    compiler_params=pltpu.CompilerParams(use_tc_tiling_on_sc=False,
                                         needs_layout_passes=False),
    out_type=[
        jax.ShapeDtypeStruct((NC * NSEG, D), jnp.float32),
        jax.ShapeDtypeStruct((NC * NHROW, CW), jnp.float32),
    ],
    scratch_types=[
        [pltpu.VMEM((CHUNK,), jnp.int32) for _ in range(NBUF)],
        [pltpu.VMEM((CHUNK, D), jnp.float32) for _ in range(NBUF)],
        pltpu.VMEM((NHROW, CW), jnp.float32),
        pltpu.VMEM((5, 125), jnp.int32),
        pltpu.VMEM_SHARED((NSEG, D), jnp.float32),
        pltpu.VMEM_SHARED((NHROW, CW), jnp.float32),
        [pltpu.SemaphoreType.DMA for _ in range(NBUF)],
        [pltpu.SemaphoreType.DMA for _ in range(NBUF)],
    ],
)
def _scatter_stage(data_hbm, ids_hbm, zrows_hbm, zcnt_hbm, iidx_hbm,
                   psums_hbm, pcnts_hbm,
                   ids_v, rows_v, hist_v, iidx_v, ssum, scnt, sems, isems):
    cid = lax.axis_index("c")
    sid = lax.axis_index("s")
    wid = sid * NC + cid
    row0 = wid * ROWS_PER_TILE
    id0 = wid * ROWS_PER_TILE
    seg0 = sid * SEG_PER_TILE

    def fire(j, b):
        pltpu.async_copy(data_hbm.at[pl.ds(row0 + j * CHUNK, CHUNK)],
                         rows_v[b], sems[b])
        pltpu.async_copy(ids_hbm.at[pl.ds(id0 + j * CHUNK, CHUNK)],
                         ids_v[b], isems[b])

    for j in range(1, NBUF):
        fire(j, j)

    pltpu.sync_copy(zrows_hbm, rows_v[0])
    for off, sz in EXCHUNKS:
        pltpu.sync_copy(rows_v[0].at[pl.ds(0, sz)],
                        ssum.at[pl.ds(seg0 + off, sz)])
    fire(0, 0)
    pltpu.sync_copy(iidx_hbm, iidx_v)
    for k in range(5):
        pltpu.sync_copy(zcnt_hbm, hist_v.at[pl.ds(k * 125, 125)])

    @pl.when(sid == 0)
    def _():
        for k in range(5):
            pltpu.sync_copy(zcnt_hbm, scnt.at[pl.ds(k * 125, 125)])

    plsc.subcore_barrier()

    ones16 = jnp.full((16,), 1.0, jnp.float32)

    def consume(j, b):
        pltpu.make_async_copy(data_hbm.at[pl.ds(row0, CHUNK)],
                              rows_v[b], sems[b]).wait()
        pltpu.make_async_copy(ids_hbm.at[pl.ds(id0, CHUNK)],
                              ids_v[b], isems[b]).wait()
        pltpu.sync_copy(rows_v[b], ssum.at[ids_v[b]], add=True)
        for k in range(CHUNK // 16):
            idx = ids_v[b][pl.ds(k * 16, 16)]
            plsc.addupdate_scatter(hist_v, [idx >> 4, idx & 15], ones16)

    for j in range(PRO):
        consume(j, j % NBUF)
        fire(j + NBUF, j % NBUF)

    def step(i, carry):
        for b in range(NBUF):
            j = NBUF * i + PRO + b
            bb = (PRO + b) % NBUF
            consume(j, bb)

            @pl.when(j + NBUF < NCHUNK)
            def _():
                fire_j = j + NBUF
                pltpu.async_copy(
                    data_hbm.at[pl.ds(row0 + fire_j * CHUNK, CHUNK)],
                    rows_v[bb], sems[bb])
                pltpu.async_copy(
                    ids_hbm.at[pl.ds(id0 + fire_j * CHUNK, CHUNK)],
                    ids_v[bb], isems[bb])
        return carry

    lax.fori_loop(0, (NCHUNK - PRO) // NBUF, step, 0)

    for k in range(5):
        pltpu.sync_copy(hist_v.at[pl.ds(k * 125, 125)],
                        scnt.at[iidx_v.at[k]], add=True)
    plsc.subcore_barrier()

    out0 = cid * NSEG + seg0
    for off, sz in EXCHUNKS:
        pltpu.sync_copy(ssum.at[pl.ds(seg0 + off, sz)],
                        rows_v[0].at[pl.ds(0, sz)])
        pltpu.sync_copy(rows_v[0].at[pl.ds(0, sz)],
                        psums_hbm.at[pl.ds(out0 + off, sz)])

    @pl.when(sid == 0)
    def _():
        pltpu.sync_copy(scnt, hist_v)
        pltpu.sync_copy(hist_v, pcnts_hbm.at[pl.ds(cid * NHROW, NHROW)])


_FR = 2000
_FH = _FR // CW


def _fin_body(s_ref, c_ref, o_ref):
    s = s_ref[0] + s_ref[1]
    c = c_ref[0, 0] + c_ref[1, 0]
    cnt = jnp.broadcast_to(c[:, :, None], (_FH, CW, D)).reshape(_FR, D)
    o_ref[...] = s / jnp.maximum(cnt, 1.0)


_finalize = pl.pallas_call(
    _fin_body,
    grid=(NSEG // _FR,),
    in_specs=[
        pl.BlockSpec((NC, _FR, D), lambda g: (0, g, 0)),
        pl.BlockSpec((NC, 1, _FH, CW), lambda g: (0, g, 0, 0)),
    ],
    out_specs=pl.BlockSpec((_FR, D), lambda g: (g, 0)),
    out_shape=jax.ShapeDtypeStruct((NSEG, D), jnp.float32),
)


@jax.jit
def kernel(data, segment_ids):
    ids = segment_ids.astype(jnp.int32)
    zrows = jnp.zeros((CHUNK, D), jnp.float32)
    zcnt = jnp.zeros((125, CW), jnp.float32)
    iidx = jnp.arange(NHROW, dtype=jnp.int32).reshape(5, 125)
    psums, pcnts = _scatter_stage(data, ids, zrows, zcnt, iidx)
    return _finalize(psums.reshape(NC, NSEG, D),
                     pcnts.reshape(NC, NHROW // _FH, _FH, CW))

# --- scband reference (transcript-rebuilt; emitter-appended) ---
"""Pipeline reference for scband-unsorted-segment-example-37950331028050 (READ-ONLY COPY).

The authoritative reference and input builder live on the scoring server;
editing this copy changes nothing except your own understanding.
"""

import jax, jax.numpy as jnp
import numpy as np

NUM_SEGMENTS = 10000

def setup_inputs(seed: int = 0) -> dict:
    key = jax.random.key(seed)
    k1, k2 = jax.random.split(key)
    segment_ids = jax.random.randint(k1, (320000,), 0, NUM_SEGMENTS, dtype=jnp.int64 if jax.config.jax_enable_x64 else jnp.int32)
    data = jax.random.normal(k2, (320000, 128), dtype=jnp.float32)
    return {"data": data, "segment_ids": segment_ids}

def reference(data, segment_ids):
    # Faithful translation of unsorted_segment_mean (mode='mean'):
    # result = zeros(num_segments, d).scatter_add(0, seg_ids, data)
    # count  = zeros(num_segments, d).scatter_add(0, seg_ids, ones_like(data))
    # result = result / count.clamp(min=1)
    sums = jnp.zeros((NUM_SEGMENTS, data.shape[1]), dtype=data.dtype).at[segment_ids].add(data)
    counts = jnp.zeros((NUM_SEGMENTS, data.shape[1]), dtype=data.dtype).at[segment_ids].add(jnp.ones_like(data))
    return sums / jnp.clip(counts, 1.0)

if __name__ == "__main__":
    import jax
    _d = setup_inputs()
    print(jax.jit(kernel)(*tuple(_d.values())))

</pallas_src>

<mosaic_0001>
#map = affine_map<(d0, d1) -> (0, 0)>
#map1 = affine_map<(d0, d1) -> (0)>
module attributes {stable_mosaic.version = 14 : i64} {
  func.func @_scatter_stage(%arg0: i32, %arg1: i32, %arg2: memref<320000x128xf32, #tpu.memory_space<hbm>>, %arg3: memref<320000xi32, #tpu.memory_space<hbm>>, %arg4: memref<80x128xf32, #tpu.memory_space<hbm>>, %arg5: memref<125x16xf32, #tpu.memory_space<hbm>>, %arg6: memref<5x125xi32, #tpu.memory_space<hbm>>, %arg7: memref<20000x128xf32, #tpu.memory_space<hbm>>, %arg8: memref<1250x16xf32, #tpu.memory_space<hbm>>, %arg9: memref<80xi32, #tpu.memory_space<vmem>>, %arg10: memref<80xi32, #tpu.memory_space<vmem>>, %arg11: memref<80xi32, #tpu.memory_space<vmem>>, %arg12: memref<80x128xf32, #tpu.memory_space<vmem>>, %arg13: memref<80x128xf32, #tpu.memory_space<vmem>>, %arg14: memref<80x128xf32, #tpu.memory_space<vmem>>, %arg15: memref<625x16xf32, #tpu.memory_space<vmem>>, %arg16: memref<5x125xi32, #tpu.memory_space<vmem>>, %arg17: memref<10000x128xf32, #tpu.memory_space<vmem_shared>>, %arg18: memref<625x16xf32, #tpu.memory_space<vmem_shared>>, %arg19: memref<!tpu.dma_semaphore, #tpu.memory_space<semaphore_mem>>, %arg20: memref<!tpu.dma_semaphore, #tpu.memory_space<semaphore_mem>>, %arg21: memref<!tpu.dma_semaphore, #tpu.memory_space<semaphore_mem>>, %arg22: memref<!tpu.dma_semaphore, #tpu.memory_space<semaphore_mem>>, %arg23: memref<!tpu.dma_semaphore, #tpu.memory_space<semaphore_mem>>, %arg24: memref<!tpu.dma_semaphore, #tpu.memory_space<semaphore_mem>>) attributes {dimension_semantics = [#tpu.dimension_semantics<core_parallel>, #tpu.dimension_semantics<subcore_parallel>], iteration_bounds = array<i64: 2, 16>, scalar_prefetch = 0 : i64, scratch_operands = 16 : i64, tpu.core_type = #tpu.core_type<sc_vector_subcore>, window_params = [{transform_indices = #map}, {transform_indices = #map1}, {transform_indices = #map}, {transform_indices = #map}, {transform_indices = #map}, {transform_indices = #map}, {transform_indices = #map}]} {
    %mul3A = arith.constant 2 : i32
    %mul3A_0 = arith.muli %arg1, %mul3A : i32
    %add3A = arith.addi %mul3A_0, %arg0 : i32
    %mul3A_1 = arith.constant 10000 : i32
    %mul3A_2 = arith.muli %add3A, %mul3A_1 : i32
    %mul3A_3 = arith.constant 10000 : i32
    %mul3A_4 = arith.muli %add3A, %mul3A_3 : i32
    %mul3A_5 = arith.constant 625 : i32
    %mul3A_6 = arith.muli %arg1, %mul3A_5 : i32
    %add3A_7 = arith.constant 80 : i32
    %add3A_8 = arith.addi %mul3A_2, %add3A_7 : i32
    %dma_start3A = arith.constant 0 : i32
    %dma_start3A_9 = tpu.memref_slice %arg2[%add3A_8, %dma_start3A] : memref<320000x128xf32, #tpu.memory_space<hbm>> -> memref<80x128xf32, #tpu.memory_space<hbm>>
    %dma_start3A_10 = arith.constant 0 : i32
    %dma_start3A_11 = tpu.memref_slice %arg2[%add3A_8, %dma_start3A_10] : memref<320000x128xf32, #tpu.memory_space<hbm>> -> memref<80x128xf32, #tpu.memory_space<hbm>>
    tpu.enqueue_dma source(%dma_start3A_11 : memref<80x128xf32, #tpu.memory_space<hbm>>) target(%arg13 : memref<80x128xf32, #tpu.memory_space<vmem>>) target_semaphore(%arg20 : memref<!tpu.dma_semaphore, #tpu.memory_space<semaphore_mem>>)
    %add3A_12 = arith.constant 80 : i32
    %add3A_13 = arith.addi %mul3A_4, %add3A_12 : i32
    %dma_start3A_14 = tpu.memref_slice %arg3[%add3A_13] : memref<320000xi32, #tpu.memory_space<hbm>> -> memref<80xi32, #tpu.memory_space<hbm>>
    %dma_start3A_15 = tpu.memref_slice %arg3[%add3A_13] : memref<320000xi32, #tpu.memory_space<hbm>> -> memref<80xi32, #tpu.memory_space<hbm>>
    tpu.enqueue_dma source(%dma_start3A_15 : memref<80xi32, #tpu.memory_space<hbm>>) target(%arg10 : memref<80xi32, #tpu.memory_space<vmem>>) target_semaphore(%arg23 : memref<!tpu.dma_semaphore, #tpu.memory_space<semaphore_mem>>)
    %add3A_16 = arith.constant 160 : i32
    %add3A_17 = arith.addi %mul3A_2, %add3A_16 : i32
    %dma_start3A_18 = arith.constant 0 : i32
    %dma_start3A_19 = tpu.memref_slice %arg2[%add3A_17, %dma_start3A_18] : memref<320000x128xf32, #tpu.memory_space<hbm>> -> memref<80x128xf32, #tpu.memory_space<hbm>>
    %dma_start3A_20 = arith.constant 0 : i32
    %dma_start3A_21 = tpu.memref_slice %arg2[%add3A_17, %dma_start3A_20] : memref<320000x128xf32, #tpu.memory_space<hbm>> -> memref<80x128xf32, #tpu.memory_space<hbm>>
    tpu.enqueue_dma source(%dma_start3A_21 : memref<80x128xf32, #tpu.memory_space<hbm>>) target(%arg14 : memref<80x128xf32, #tpu.memory_space<vmem>>) target_semaphore(%arg21 : memref<!tpu.dma_semaphore, #tpu.memory_space<semaphore_mem>>)
    %add3A_22 = arith.constant 160 : i32
    %add3A_23 = arith.addi %mul3A_4, %add3A_22 : i32
    %dma_start3A_24 = tpu.memref_slice %arg3[%add3A_23] : memref<320000xi32, #tpu.memory_space<hbm>> -> memref<80xi32, #tpu.memory_space<hbm>>
    %dma_start3A_25 = tpu.memref_slice %arg3[%add3A_23] : memref<320000xi32, #tpu.memory_space<hbm>> -> memref<80xi32, #tpu.memory_space<hbm>>
    tpu.enqueue_dma source(%dma_start3A_25 : memref<80xi32, #tpu.memory_space<hbm>>) target(%arg11 : memref<80xi32, #tpu.memory_space<vmem>>) target_semaphore(%arg24 : memref<!tpu.dma_semaphore, #tpu.memory_space<semaphore_mem>>)
    "tpu.region"() ({
      %run_scoped3A_213 = tpu.sem_alloc : memref<!tpu.dma_semaphore, #tpu.memory_space<semaphore_mem>>
      tpu.enqueue_dma source(%arg4 : memref<80x128xf32, #tpu.memory_space<hbm>>) target(%arg12 : memref<80x128xf32, #tpu.memory_space<vmem>>) target_semaphore(%run_scoped3A_213 : memref<!tpu.dma_semaphore, #tpu.memory_space<semaphore_mem>>)
      tpu.wait_dma2 semaphore(%run_scoped3A_213 : memref<!tpu.dma_semaphore, #tpu.memory_space<semaphore_mem>>) src(%arg4 : memref<80x128xf32, #tpu.memory_space<hbm>>) dst(%arg12 : memref<80x128xf32, #tpu.memory_space<vmem>>)
      tpu.yield
    }) : () -> ()
    %add3A_26 = arith.constant 0 : i32
    %add3A_27 = arith.addi %mul3A_6, %add3A_26 : i32
    "tpu.region"() ({
      %run_scoped3A_213 = tpu.sem_alloc : memref<!tpu.dma_semaphore, #tpu.memory_space<semaphore_mem>>
      %dma_start3A_214 = arith.constant 0 : i32
      %dma_start3A_215 = arith.constant 0 : i32
      %dma_start3A_216 = tpu.memref_slice %arg12[%dma_start3A_214, %dma_start3A_215] : memref<80x128xf32, #tpu.memory_space<vmem>> -> memref<80x128xf32, #tpu.memory_space<vmem>>
      %dma_start3A_217 = arith.constant 0 : i32
      %dma_start3A_218 = tpu.memref_slice %arg17[%add3A_27, %dma_start3A_217] : memref<10000x128xf32, #tpu.memory_space<vmem_shared>> -> memref<80x128xf32, #tpu.memory_space<vmem_shared>>
      %dma_start3A_219 = arith.constant 0 : i32
      %dma_start3A_220 = tpu.memref_slice %arg17[%add3A_27, %dma_start3A_219] : memref<10000x128xf32, #tpu.memory_space<vmem_shared>> -> memref<80x128xf32, #tpu.memory_space<vmem_shared>>
      %dma_start3A_221 = arith.constant 0 : i32
      %dma_start3A_222 = arith.constant 0 : i32
      %dma_start3A_223 = tpu.memref_slice %arg12[%dma_start3A_221, %dma_start3A_222] : memref<80x128xf32, #tpu.memory_space<vmem>> -> memref<80x128xf32, #tpu.memory_space<vmem>>
      tpu.enqueue_dma source(%dma_start3A_223 : memref<80x128xf32, #tpu.memory_space<vmem>>) target(%dma_start3A_220 : memref<80x128xf32, #tpu.memory_space<vmem_shared>>) target_semaphore(%run_scoped3A_213 : memref<!tpu.dma_semaphore, #tpu.memory_space<semaphore_mem>>)
      %dma_wait3A_224 = arith.constant 0 : i32
      %dma_wait3A_225 = arith.constant 0 : i32
      %dma_wait3A_226 = tpu.memref_slice %arg12[%dma_wait3A_224, %dma_wait3A_225] : memref<80x128xf32, #tpu.memory_space<vmem>> -> memref<80x128xf32, #tpu.memory_space<vmem>>
      %dma_wait3A_227 = arith.constant 0 : i32
      %dma_wait3A_228 = tpu.memref_slice %arg17[%add3A_27, %dma_wait3A_227] : memref<10000x128xf32, #tpu.memory_space<vmem_shared>> -> memref<80x128xf32, #tpu.memory_space<vmem_shared>>
      %dma_wait3A_229 = arith.constant 0 : i32
      %dma_wait3A_230 = tpu.memref_slice %arg17[%add3A_27, %dma_wait3A_229] : memref<10000x128xf32, #tpu.memory_space<vmem_shared>> -> memref<80x128xf32, #tpu.memory_space<vmem_shared>>
      %dma_wait3A_231 = arith.constant 0 : i32
      %dma_wait3A_232 = arith.constant 0 : i32
      %dma_wait3A_233 = tpu.memref_slice %arg12[%dma_wait3A_231, %dma_wait3A_232] : memref<80x128xf32, #tpu.memory_space<vmem>> -> memref<80x128xf32, #tpu.memory_space<vmem>>
      tpu.wait_dma2 semaphore(%run_scoped3A_213 : memref<!tpu.dma_semaphore, #tpu.memory_space<semaphore_mem>>) src(%dma_wait3A_233 : memref<80x128xf32, #tpu.memory_space<vmem>>) dst(%dma_wait3A_230 : memref<80x128xf32, #tpu.memory_space<vmem_shared>>)
      tpu.yield
    }) : () -> ()
    %add3A_28 = arith.constant 80 : i32
    %add3A_29 = arith.addi %mul3A_6, %add3A_28 : i32
    "tpu.region"() ({
      %run_scoped3A_213 = tpu.sem_alloc : memref<!tpu.dma_semaphore, #tpu.memory_space<semaphore_mem>>
      %dma_start3A_214 = arith.constant 0 : i32
      %dma_start3A_215 = arith.constant 0 : i32
      %dma_start3A_216 = tpu.memref_slice %arg12[%dma_start3A_214, %dma_start3A_215] : memref<80x128xf32, #tpu.memory_space<vmem>> -> memref<80x128xf32, #tpu.memory_space<vmem>>
      %dma_start3A_217 = arith.constant 0 : i32
      %dma_start3A_218 = tpu.memref_slice %arg17[%add3A_29, %dma_start3A_217] : memref<10000x128xf32, #tpu.memory_space<vmem_shared>> -> memref<80x128xf32, #tpu.memory_space<vmem_shared>>
      %dma_start3A_219 = arith.constant 0 : i32
      %dma_start3A_220 = tpu.memref_slice %arg17[%add3A_29, %dma_start3A_219] : memref<10000x128xf32, #tpu.memory_space<vmem_shared>> -> memref<80x128xf32, #tpu.memory_space<vmem_shared>>
      %dma_start3A_221 = arith.constant 0 : i32
      %dma_start3A_222 = arith.constant 0 : i32
      %dma_start3A_223 = tpu.memref_slice %arg12[%dma_start3A_221, %dma_start3A_222] : memref<80x128xf32, #tpu.memory_space<vmem>> -> memref<80x128xf32, #tpu.memory_space<vmem>>
      tpu.enqueue_dma source(%dma_start3A_223 : memref<80x128xf32, #tpu.memory_space<vmem>>) target(%dma_start3A_220 : memref<80x128xf32, #tpu.memory_space<vmem_shared>>) target_semaphore(%run_scoped3A_213 : memref<!tpu.dma_semaphore, #tpu.memory_space<semaphore_mem>>)
      %dma_wait3A_224 = arith.constant 0 : i32
      %dma_wait3A_225 = arith.constant 0 : i32
      %dma_wait3A_226 = tpu.memref_slice %arg12[%dma_wait3A_224, %dma_wait3A_225] : memref<80x128xf32, #tpu.memory_space<vmem>> -> memref<80x128xf32, #tpu.memory_space<vmem>>
      %dma_wait3A_227 = arith.constant 0 : i32
      %dma_wait3A_228 = tpu.memref_slice %arg17[%add3A_29, %dma_wait3A_227] : memref<10000x128xf32, #tpu.memory_space<vmem_shared>> -> memref<80x128xf32, #tpu.memory_space<vmem_shared>>
      %dma_wait3A_229 = arith.constant 0 : i32
      %dma_wait3A_230 = tpu.memref_slice %arg17[%add3A_29, %dma_wait3A_229] : memref<10000x128xf32, #tpu.memory_space<vmem_shared>> -> memref<80x128xf32, #tpu.memory_space<vmem_shared>>
      %dma_wait3A_231 = arith.constant 0 : i32
      %dma_wait3A_232 = arith.constant 0 : i32
      %dma_wait3A_233 = tpu.memref_slice %arg12[%dma_wait3A_231, %dma_wait3A_232] : memref<80x128xf32, #tpu.memory_space<vmem>> -> memref<80x128xf32, #tpu.memory_space<vmem>>
      tpu.wait_dma2 semaphore(%run_scoped3A_213 : memref<!tpu.dma_semaphore, #tpu.memory_space<semaphore_mem>>) src(%dma_wait3A_233 : memref<80x128xf32, #tpu.memory_space<vmem>>) dst(%dma_wait3A_230 : memref<80x128xf32, #tpu.memory_space<vmem_shared>>)
      tpu.yield
    }) : () -> ()
    %add3A_30 = arith.constant 160 : i32
    %add3A_31 = arith.addi %mul3A_6, %add3A_30 : i32
    "tpu.region"() ({
      %run_scoped3A_213 = tpu.sem_alloc : memref<!tpu.dma_semaphore, #tpu.memory_space<semaphore_mem>>
      %dma_start3A_214 = arith.constant 0 : i32
      %dma_start3A_215 = arith.constant 0 : i32
      %dma_start3A_216 = tpu.memref_slice %arg12[%dma_start3A_214, %dma_start3A_215] : memref<80x128xf32, #tpu.memory_space<vmem>> -> memref<80x128xf32, #tpu.memory_space<vmem>>
      %dma_start3A_217 = arith.constant 0 : i32
      %dma_start3A_218 = tpu.memref_slice %arg17[%add3A_31, %dma_start3A_217] : memref<10000x128xf32, #tpu.memory_space<vmem_shared>> -> memref<80x128xf32, #tpu.memory_space<vmem_shared>>
      %dma_start3A_219 = arith.constant 0 : i32
      %dma_start3A_220 = tpu.memref_slice %arg17[%add3A_31, %dma_start3A_219] : memref<10000x128xf32, #tpu.memory_space<vmem_shared>> -> memref<80x128xf32, #tpu.memory_space<vmem_shared>>
      %dma_start3A_221 = arith.constant 0 : i32
      %dma_start3A_222 = arith.constant 0 : i32
      %dma_start3A_223 = tpu.memref_slice %arg12[%dma_start3A_221, %dma_start3A_222] : memref<80x128xf32, #tpu.memory_space<vmem>> -> memref<80x128xf32, #tpu.memory_space<vmem>>
      tpu.enqueue_dma source(%dma_start3A_223 : memref<80x128xf32, #tpu.memory_space<vmem>>) target(%dma_start3A_220 : memref<80x128xf32, #tpu.memory_space<vmem_shared>>) target_semaphore(%run_scoped3A_213 : memref<!tpu.dma_semaphore, #tpu.memory_space<semaphore_mem>>)
      %dma_wait3A_224 = arith.constant 0 : i32
      %dma_wait3A_225 = arith.constant 0 : i32
      %dma_wait3A_226 = tpu.memref_slice %arg12[%dma_wait3A_224, %dma_wait3A_225] : memref<80x128xf32, #tpu.memory_space<vmem>> -> memref<80x128xf32, #tpu.memory_space<vmem>>
      %dma_wait3A_227 = arith.constant 0 : i32
      %dma_wait3A_228 = tpu.memref_slice %arg17[%add3A_31, %dma_wait3A_227] : memref<10000x128xf32, #tpu.memory_space<vmem_shared>> -> memref<80x128xf32, #tpu.memory_space<vmem_shared>>
      %dma_wait3A_229 = arith.constant 0 : i32
      %dma_wait3A_230 = tpu.memref_slice %arg17[%add3A_31, %dma_wait3A_229] : memref<10000x128xf32, #tpu.memory_space<vmem_shared>> -> memref<80x128xf32, #tpu.memory_space<vmem_shared>>
      %dma_wait3A_231 = arith.constant 0 : i32
      %dma_wait3A_232 = arith.constant 0 : i32
      %dma_wait3A_233 = tpu.memref_slice %arg12[%dma_wait3A_231, %dma_wait3A_232] : memref<80x128xf32, #tpu.memory_space<vmem>> -> memref<80x128xf32, #tpu.memory_space<vmem>>
      tpu.wait_dma2 semaphore(%run_scoped3A_213 : memref<!tpu.dma_semaphore, #tpu.memory_space<semaphore_mem>>) src(%dma_wait3A_233 : memref<80x128xf32, #tpu.memory_space<vmem>>) dst(%dma_wait3A_230 : memref<80x128xf32, #tpu.memory_space<vmem_shared>>)
      tpu.yield
    }) : () -> ()
    %add3A_32 = arith.constant 240 : i32
    %add3A_33 = arith.addi %mul3A_6, %add3A_32 : i32
    "tpu.region"() ({
      %run_scoped3A_213 = tpu.sem_alloc : memref<!tpu.dma_semaphore, #tpu.memory_space<semaphore_mem>>
      %dma_start3A_214 = arith.constant 0 : i32
      %dma_start3A_215 = arith.constant 0 : i32
      %dma_start3A_216 = tpu.memref_slice %arg12[%dma_start3A_214, %dma_start3A_215] : memref<80x128xf32, #tpu.memory_space<vmem>> -> memref<80x128xf32, #tpu.memory_space<vmem>>
      %dma_start3A_217 = arith.constant 0 : i32
      %dma_start3A_218 = tpu.memref_slice %arg17[%add3A_33, %dma_start3A_217] : memref<10000x128xf32, #tpu.memory_space<vmem_shared>> -> memref<80x128xf32, #tpu.memory_space<vmem_shared>>
      %dma_start3A_219 = arith.constant 0 : i32
      %dma_start3A_220 = tpu.memref_slice %arg17[%add3A_33, %dma_start3A_219] : memref<10000x128xf32, #tpu.memory_space<vmem_shared>> -> memref<80x128xf32, #tpu.memory_space<vmem_shared>>
      %dma_start3A_221 = arith.constant 0 : i32
      %dma_start3A_222 = arith.constant 0 : i32
      %dma_start3A_223 = tpu.memref_slice %arg12[%dma_start3A_221, %dma_start3A_222] : memref<80x128xf32, #tpu.memory_space<vmem>> -> memref<80x128xf32, #tpu.memory_space<vmem>>
      tpu.enqueue_dma source(%dma_start3A_223 : memref<80x128xf32, #tpu.memory_space<vmem>>) target(%dma_start3A_220 : memref<80x128xf32, #tpu.memory_space<vmem_shared>>) target_semaphore(%run_scoped3A_213 : memref<!tpu.dma_semaphore, #tpu.memory_space<semaphore_mem>>)
      %dma_wait3A_224 = arith.constant 0 : i32
      %dma_wait3A_225 = arith.constant 0 : i32
      %dma_wait3A_226 = tpu.memref_slice %arg12[%dma_wait3A_224, %dma_wait3A_225] : memref<80x128xf32, #tpu.memory_space<vmem>> -> memref<80x128xf32, #tpu.memory_space<vmem>>
      %dma_wait3A_227 = arith.constant 0 : i32
      %dma_wait3A_228 = tpu.memref_slice %arg17[%add3A_33, %dma_wait3A_227] : memref<10000x128xf32, #tpu.memory_space<vmem_shared>> -> memref<80x128xf32, #tpu.memory_space<vmem_shared>>
      %dma_wait3A_229 = arith.constant 0 : i32
      %dma_wait3A_230 = tpu.memref_slice %arg17[%add3A_33, %dma_wait3A_229] : memref<10000x128xf32, #tpu.memory_space<vmem_shared>> -> memref<80x128xf32, #tpu.memory_space<vmem_shared>>
      %dma_wait3A_231 = arith.constant 0 : i32
      %dma_wait3A_232 = arith.constant 0 : i32
      %dma_wait3A_233 = tpu.memref_slice %arg12[%dma_wait3A_231, %dma_wait3A_232] : memref<80x128xf32, #tpu.memory_space<vmem>> -> memref<80x128xf32, #tpu.memory_space<vmem>>
      tpu.wait_dma2 semaphore(%run_scoped3A_213 : memref<!tpu.dma_semaphore, #tpu.memory_space<semaphore_mem>>) src(%dma_wait3A_233 : memref<80x128xf32, #tpu.memory_space<vmem>>) dst(%dma_wait3A_230 : memref<80x128xf32, #tpu.memory_space<vmem_shared>>)
      tpu.yield
    }) : () -> ()
    %add3A_34 = arith.constant 320 : i32
    %add3A_35 = arith.addi %mul3A_6, %add3A_34 : i32
    "tpu.region"() ({
      %run_scoped3A_213 = tpu.sem_alloc : memref<!tpu.dma_semaphore, #tpu.memory_space<semaphore_mem>>
      %dma_start3A_214 = arith.constant 0 : i32
      %dma_start3A_215 = arith.constant 0 : i32
      %dma_start3A_216 = tpu.memref_slice %arg12[%dma_start3A_214, %dma_start3A_215] : memref<80x128xf32, #tpu.memory_space<vmem>> -> memref<80x128xf32, #tpu.memory_space<vmem>>
      %dma_start3A_217 = arith.constant 0 : i32
      %dma_start3A_218 = tpu.memref_slice %arg17[%add3A_35, %dma_start3A_217] : memref<10000x128xf32, #tpu.memory_space<vmem_shared>> -> memref<80x128xf32, #tpu.memory_space<vmem_shared>>
      %dma_start3A_219 = arith.constant 0 : i32
      %dma_start3A_220 = tpu.memref_slice %arg17[%add3A_35, %dma_start3A_219] : memref<10000x128xf32, #tpu.memory_space<vmem_shared>> -> memref<80x128xf32, #tpu.memory_space<vmem_shared>>
      %dma_start3A_221 = arith.constant 0 : i32
      %dma_start3A_222 = arith.constant 0 : i32
      %dma_start3A_223 = tpu.memref_slice %arg12[%dma_start3A_221, %dma_start3A_222] : memref<80x128xf32, #tpu.memory_space<vmem>> -> memref<80x128xf32, #tpu.memory_space<vmem>>
      tpu.enqueue_dma source(%dma_start3A_223 : memref<80x128xf32, #tpu.memory_space<vmem>>) target(%dma_start3A_220 : memref<80x128xf32, #tpu.memory_space<vmem_shared>>) target_semaphore(%run_scoped3A_213 : memref<!tpu.dma_semaphore, #tpu.memory_space<semaphore_mem>>)
      %dma_wait3A_224 = arith.constant 0 : i32
      %dma_wait3A_225 = arith.constant 0 : i32
      %dma_wait3A_226 = tpu.memref_slice %arg12[%dma_wait3A_224, %dma_wait3A_225] : memref<80x128xf32, #tpu.memory_space<vmem>> -> memref<80x128xf32, #tpu.memory_space<vmem>>
      %dma_wait3A_227 = arith.constant 0 : i32
      %dma_wait3A_228 = tpu.memref_slice %arg17[%add3A_35, %dma_wait3A_227] : memref<10000x128xf32, #tpu.memory_space<vmem_shared>> -> memref<80x128xf32, #tpu.memory_space<vmem_shared>>
      %dma_wait3A_229 = arith.constant 0 : i32
      %dma_wait3A_230 = tpu.memref_slice %arg17[%add3A_35, %dma_wait3A_229] : memref<10000x128xf32, #tpu.memory_space<vmem_shared>> -> memref<80x128xf32, #tpu.memory_space<vmem_shared>>
      %dma_wait3A_231 = arith.constant 0 : i32
      %dma_wait3A_232 = arith.constant 0 : i32
      %dma_wait3A_233 = tpu.memref_slice %arg12[%dma_wait3A_231, %dma_wait3A_232] : memref<80x128xf32, #tpu.memory_space<vmem>> -> memref<80x128xf32, #tpu.memory_space<vmem>>
      tpu.wait_dma2 semaphore(%run_scoped3A_213 : memref<!tpu.dma_semaphore, #tpu.memory_space<semaphore_mem>>) src(%dma_wait3A_233 : memref<80x128xf32, #tpu.memory_space<vmem>>) dst(%dma_wait3A_230 : memref<80x128xf32, #tpu.memory_space<vmem_shared>>)
      tpu.yield
    }) : () -> ()
    %add3A_36 = arith.constant 400 : i32
    %add3A_37 = arith.addi %mul3A_6, %add3A_36 : i32
    "tpu.region"() ({
      %run_scoped3A_213 = tpu.sem_alloc : memref<!tpu.dma_semaphore, #tpu.memory_space<semaphore_mem>>
      %dma_start3A_214 = arith.constant 0 : i32
      %dma_start3A_215 = arith.constant 0 : i32
      %dma_start3A_216 = tpu.memref_slice %arg12[%dma_start3A_214, %dma_start3A_215] : memref<80x128xf32, #tpu.memory_space<vmem>> -> memref<80x128xf32, #tpu.memory_space<vmem>>
      %dma_start3A_217 = arith.constant 0 : i32
      %dma_start3A_218 = tpu.memref_slice %arg17[%add3A_37, %dma_start3A_217] : memref<10000x128xf32, #tpu.memory_space<vmem_shared>> -> memref<80x128xf32, #tpu.memory_space<vmem_shared>>
      %dma_start3A_219 = arith.constant 0 : i32
      %dma_start3A_220 = tpu.memref_slice %arg17[%add3A_37, %dma_start3A_219] : memref<10000x128xf32, #tpu.memory_space<vmem_shared>> -> memref<80x128xf32, #tpu.memory_space<vmem_shared>>
      %dma_start3A_221 = arith.constant 0 : i32
      %dma_start3A_222 = arith.constant 0 : i32
      %dma_start3A_223 = tpu.memref_slice %arg12[%dma_start3A_221, %dma_start3A_222] : memref<80x128xf32, #tpu.memory_space<vmem>> -> memref<80x128xf32, #tpu.memory_space<vmem>>
      tpu.enqueue_dma source(%dma_start3A_223 : memref<80x128xf32, #tpu.memory_space<vmem>>) target(%dma_start3A_220 : memref<80x128xf32, #tpu.memory_space<vmem_shared>>) target_semaphore(%run_scoped3A_213 : memref<!tpu.dma_semaphore, #tpu.memory_space<semaphore_mem>>)
      %dma_wait3A_224 = arith.constant 0 : i32
      %dma_wait3A_225 = arith.constant 0 : i32
      %dma_wait3A_226 = tpu.memref_slice %arg12[%dma_wait3A_224, %dma_wait3A_225] : memref<80x128xf32, #tpu.memory_space<vmem>> -> memref<80x128xf32, #tpu.memory_space<vmem>>
      %dma_wait3A_227 = arith.constant 0 : i32
      %dma_wait3A_228 = tpu.memref_slice %arg17[%add3A_37, %dma_wait3A_227] : memref<10000x128xf32, #tpu.memory_space<vmem_shared>> -> memref<80x128xf32, #tpu.memory_space<vmem_shared>>
      %dma_wait3A_229 = arith.constant 0 : i32
      %dma_wait3A_230 = tpu.memref_slice %arg17[%add3A_37, %dma_wait3A_229] : memref<10000x128xf32, #tpu.memory_space<vmem_shared>> -> memref<80x128xf32, #tpu.memory_space<vmem_shared>>
      %dma_wait3A_231 = arith.constant 0 : i32
      %dma_wait3A_232 = arith.constant 0 : i32
      %dma_wait3A_233 = tpu.memref_slice %arg12[%dma_wait3A_231, %dma_wait3A_232] : memref<80x128xf32, #tpu.memory_space<vmem>> -> memref<80x128xf32, #tpu.memory_space<vmem>>
      tpu.wait_dma2 semaphore(%run_scoped3A_213 : memref<!tpu.dma_semaphore, #tpu.memory_space<semaphore_mem>>) src(%dma_wait3A_233 : memref<80x128xf32, #tpu.memory_space<vmem>>) dst(%dma_wait3A_230 : memref<80x128xf32, #tpu.memory_space<vmem_shared>>)
      tpu.yield
    }) : () -> ()
    %add3A_38 = arith.constant 480 : i32
    %add3A_39 = arith.addi %mul3A_6, %add3A_38 : i32
    "tpu.region"() ({
      %run_scoped3A_213 = tpu.sem_alloc : memref<!tpu.dma_semaphore, #tpu.memory_space<semaphore_mem>>
      %dma_start3A_214 = arith.constant 0 : i32
      %dma_start3A_215 = arith.constant 0 : i32
      %dma_start3A_216 = tpu.memref_slice %arg12[%dma_start3A_214, %dma_start3A_215] : memref<80x128xf32, #tpu.memory_space<vmem>> -> memref<80x128xf32, #tpu.memory_space<vmem>>
      %dma_start3A_217 = arith.constant 0 : i32
      %dma_start3A_218 = tpu.memref_slice %arg17[%add3A_39, %dma_start3A_217] : memref<10000x128xf32, #tpu.memory_space<vmem_shared>> -> memref<80x128xf32, #tpu.memory_space<vmem_shared>>
      %dma_start3A_219 = arith.constant 0 : i32
      %dma_start3A_220 = tpu.memref_slice %arg17[%add3A_39, %dma_start3A_219] : memref<10000x128xf32, #tpu.memory_space<vmem_shared>> -> memref<80x128xf32, #tpu.memory_space<vmem_shared>>
      %dma_start3A_221 = arith.constant 0 : i32
      %dma_start3A_222 = arith.constant 0 : i32
      %dma_start3A_223 = tpu.memref_slice %arg12[%dma_start3A_221, %dma_start3A_222] : memref<80x128xf32, #tpu.memory_space<vmem>> -> memref<80x128xf32, #tpu.memory_space<vmem>>
      tpu.enqueue_dma source(%dma_start3A_223 : memref<80x128xf32, #tpu.memory_space<vmem>>) target(%dma_start3A_220 : memref<80x128xf32, #tpu.memory_space<vmem_shared>>) target_semaphore(%run_scoped3A_213 : memref<!tpu.dma_semaphore, #tpu.memory_space<semaphore_mem>>)
      %dma_wait3A_224 = arith.constant 0 : i32
      %dma_wait3A_225 = arith.constant 0 : i32
      %dma_wait3A_226 = tpu.memref_slice %arg12[%dma_wait3A_224, %dma_wait3A_225] : memref<80x128xf32, #tpu.memory_space<vmem>> -> memref<80x128xf32, #tpu.memory_space<vmem>>
      %dma_wait3A_227 = arith.constant 0 : i32
      %dma_wait3A_228 = tpu.memref_slice %arg17[%add3A_39, %dma_wait3A_227] : memref<10000x128xf32, #tpu.memory_space<vmem_shared>> -> memref<80x128xf32, #tpu.memory_space<vmem_shared>>
      %dma_wait3A_229 = arith.constant 0 : i32
      %dma_wait3A_230 = tpu.memref_slice %arg17[%add3A_39, %dma_wait3A_229] : memref<10000x128xf32, #tpu.memory_space<vmem_shared>> -> memref<80x128xf32, #tpu.memory_space<vmem_shared>>
      %dma_wait3A_231 = arith.constant 0 : i32
      %dma_wait3A_232 = arith.constant 0 : i32
      %dma_wait3A_233 = tpu.memref_slice %arg12[%dma_wait3A_231, %dma_wait3A_232] : memref<80x128xf32, #tpu.memory_space<vmem>> -> memref<80x128xf32, #tpu.memory_space<vmem>>
      tpu.wait_dma2 semaphore(%run_scoped3A_213 : memref<!tpu.dma_semaphore, #tpu.memory_space<semaphore_mem>>) src(%dma_wait3A_233 : memref<80x128xf32, #tpu.memory_space<vmem>>) dst(%dma_wait3A_230 : memref<80x128xf32, #tpu.memory_space<vmem_shared>>)
      tpu.yield
    }) : () -> ()
    %add3A_40 = arith.constant 560 : i32
    %add3A_41 = arith.addi %mul3A_6, %add3A_40 : i32
    "tpu.region"() ({
      %run_scoped3A_213 = tpu.sem_alloc : memref<!tpu.dma_semaphore, #tpu.memory_space<semaphore_mem>>
      %dma_start3A_214 = arith.constant 0 : i32
      %dma_start3A_215 = arith.constant 0 : i32
      %dma_start3A_216 = tpu.memref_slice %arg12[%dma_start3A_214, %dma_start3A_215] : memref<80x128xf32, #tpu.memory_space<vmem>> -> memref<65x128xf32, #tpu.memory_space<vmem>>
      %dma_start3A_217 = arith.constant 0 : i32
      %dma_start3A_218 = tpu.memref_slice %arg17[%add3A_41, %dma_start3A_217] : memref<10000x128xf32, #tpu.memory_space<vmem_shared>> -> memref<65x128xf32, #tpu.memory_space<vmem_shared>>
      %dma_start3A_219 = arith.constant 0 : i32
      %dma_start3A_220 = tpu.memref_slice %arg17[%add3A_41, %dma_start3A_219] : memref<10000x128xf32, #tpu.memory_space<vmem_shared>> -> memref<65x128xf32, #tpu.memory_space<vmem_shared>>
      %dma_start3A_221 = arith.constant 0 : i32
      %dma_start3A_222 = arith.constant 0 : i32
      %dma_start3A_223 = tpu.memref_slice %arg12[%dma_start3A_221, %dma_start3A_222] : memref<80x128xf32, #tpu.memory_space<vmem>> -> memref<65x128xf32, #tpu.memory_space<vmem>>
      tpu.enqueue_dma source(%dma_start3A_223 : memref<65x128xf32, #tpu.memory_space<vmem>>) target(%dma_start3A_220 : memref<65x128xf32, #tpu.memory_space<vmem_shared>>) target_semaphore(%run_scoped3A_213 : memref<!tpu.dma_semaphore, #tpu.memory_space<semaphore_mem>>)
      %dma_wait3A_224 = arith.constant 0 : i32
      %dma_wait3A_225 = arith.constant 0 : i32
      %dma_wait3A_226 = tpu.memref_slice %arg12[%dma_wait3A_224, %dma_wait3A_225] : memref<80x128xf32, #tpu.memory_space<vmem>> -> memref<65x128xf32, #tpu.memory_space<vmem>>
      %dma_wait3A_227 = arith.constant 0 : i32
      %dma_wait3A_228 = tpu.memref_slice %arg17[%add3A_41, %dma_wait3A_227] : memref<10000x128xf32, #tpu.memory_space<vmem_shared>> -> memref<65x128xf32, #tpu.memory_space<vmem_shared>>
      %dma_wait3A_229 = arith.constant 0 : i32
      %dma_wait3A_230 = tpu.memref_slice %arg17[%add3A_41, %dma_wait3A_229] : memref<10000x128xf32, #tpu.memory_space<vmem_shared>> -> memref<65x128xf32, #tpu.memory_space<vmem_shared>>
      %dma_wait3A_231 = arith.constant 0 : i32
      %dma_wait3A_232 = arith.constant 0 : i32
      %dma_wait3A_233 = tpu.memref_slice %arg12[%dma_wait3A_231, %dma_wait3A_232] : memref<80x128xf32, #tpu.memory_space<vmem>> -> memref<65x128xf32, #tpu.memory_space<vmem>>
      tpu.wait_dma2 semaphore(%run_scoped3A_213 : memref<!tpu.dma_semaphore, #tpu.memory_space<semaphore_mem>>) src(%dma_wait3A_233 : memref<65x128xf32, #tpu.memory_space<vmem>>) dst(%dma_wait3A_230 : memref<65x128xf32, #tpu.memory_space<vmem_shared>>)
      tpu.yield
    }) : () -> ()
    %add3A_42 = arith.constant 0 : i32
    %add3A_43 = arith.addi %mul3A_2, %add3A_42 : i32
    %dma_start3A_44 = arith.constant 0 : i32
    %dma_start3A_45 = tpu.memref_slice %arg2[%add3A_43, %dma_start3A_44] : memref<320000x128xf32, #tpu.memory_space<hbm>> -> memref<80x128xf32, #tpu.memory_space<hbm>>
    %dma_start3A_46 = arith.constant 0 : i32
    %dma_start3A_47 = tpu.memref_slice %arg2[%add3A_43, %dma_start3A_46] : memref<320000x128xf32, #tpu.memory_space<hbm>> -> memref<80x128xf32, #tpu.memory_space<hbm>>
    tpu.enqueue_dma source(%dma_start3A_47 : memref<80x128xf32, #tpu.memory_space<hbm>>) target(%arg12 : memref<80x128xf32, #tpu.memory_space<vmem>>) target_semaphore(%arg19 : memref<!tpu.dma_semaphore, #tpu.memory_space<semaphore_mem>>)
    %add3A_48 = arith.constant 0 : i32
    %add3A_49 = arith.addi %mul3A_4, %add3A_48 : i32
    %dma_start3A_50 = tpu.memref_slice %arg3[%add3A_49] : memref<320000xi32, #tpu.memory_space<hbm>> -> memref<80xi32, #tpu.memory_space<hbm>>
    %dma_start3A_51 = tpu.memref_slice %arg3[%add3A_49] : memref<320000xi32, #tpu.memory_space<hbm>> -> memref<80xi32, #tpu.memory_space<hbm>>
    tpu.enqueue_dma source(%dma_start3A_51 : memref<80xi32, #tpu.memory_space<hbm>>) target(%arg9 : memref<80xi32, #tpu.memory_space<vmem>>) target_semaphore(%arg22 : memref<!tpu.dma_semaphore, #tpu.memory_space<semaphore_mem>>)
    "tpu.region"() ({
      %run_scoped3A_213 = tpu.sem_alloc : memref<!tpu.dma_semaphore, #tpu.memory_space<semaphore_mem>>
      tpu.enqueue_dma source(%arg6 : memref<5x125xi32, #tpu.memory_space<hbm>>) target(%arg16 : memref<5x125xi32, #tpu.memory_space<vmem>>) target_semaphore(%run_scoped3A_213 : memref<!tpu.dma_semaphore, #tpu.memory_space<semaphore_mem>>)
      tpu.wait_dma2 semaphore(%run_scoped3A_213 : memref<!tpu.dma_semaphore, #tpu.memory_space<semaphore_mem>>) src(%arg6 : memref<5x125xi32, #tpu.memory_space<hbm>>) dst(%arg16 : memref<5x125xi32, #tpu.memory_space<vmem>>)
      tpu.yield
    }) : () -> ()
    "tpu.region"() ({
      %run_scoped3A_213 = tpu.sem_alloc : memref<!tpu.dma_semaphore, #tpu.memory_space<semaphore_mem>>
      %dma_start3A_214 = arith.constant 0 : i32
      %dma_start3A_215 = arith.constant 0 : i32
      %dma_start3A_216 = tpu.memref_slice %arg15[%dma_start3A_214, %dma_start3A_215] : memref<625x16xf32, #tpu.memory_space<vmem>> -> memref<125x16xf32, #tpu.memory_space<vmem>>
      %dma_start3A_217 = arith.constant 0 : i32
      %dma_start3A_218 = arith.constant 0 : i32
      %dma_start3A_219 = tpu.memref_slice %arg15[%dma_start3A_217, %dma_start3A_218] : memref<625x16xf32, #tpu.memory_space<vmem>> -> memref<125x16xf32, #tpu.memory_space<vmem>>
      tpu.enqueue_dma source(%arg5 : memref<125x16xf32, #tpu.memory_space<hbm>>) target(%dma_start3A_219 : memref<125x16xf32, #tpu.memory_space<vmem>>) target_semaphore(%run_scoped3A_213 : memref<!tpu.dma_semaphore, #tpu.memory_space<semaphore_mem>>)
      %dma_wait3A_220 = arith.constant 0 : i32
      %dma_wait3A_221 = arith.constant 0 : i32
      %dma_wait3A_222 = tpu.memref_slice %arg15[%dma_wait3A_220, %dma_wait3A_221] : memref<625x16xf32, #tpu.memory_space<vmem>> -> memref<125x16xf32, #tpu.memory_space<vmem>>
      %dma_wait3A_223 = arith.constant 0 : i32
      %dma_wait3A_224 = arith.constant 0 : i32
      %dma_wait3A_225 = tpu.memref_slice %arg15[%dma_wait3A_223, %dma_wait3A_224] : memref<625x16xf32, #tpu.memory_space<vmem>> -> memref<125x16xf32, #tpu.memory_space<vmem>>
      tpu.wait_dma2 semaphore(%run_scoped3A_213 : memref<!tpu.dma_semaphore, #tpu.memory_space<semaphore_mem>>) src(%arg5 : memref<125x16xf32, #tpu.memory_space<hbm>>) dst(%dma_wait3A_225 : memref<125x16xf32, #tpu.memory_space<vmem>>)
      tpu.yield
    }) : () -> ()
    "tpu.region"() ({
      %run_scoped3A_213 = tpu.sem_alloc : memref<!tpu.dma_semaphore, #tpu.memory_space<semaphore_mem>>
      %dma_start3A_214 = arith.constant 125 : i32
      %dma_start3A_215 = arith.constant 0 : i32
      %dma_start3A_216 = tpu.memref_slice %arg15[%dma_start3A_214, %dma_start3A_215] : memref<625x16xf32, #tpu.memory_space<vmem>> -> memref<125x16xf32, #tpu.memory_space<vmem>>
      %dma_start3A_217 = arith.constant 125 : i32
      %dma_start3A_218 = arith.constant 0 : i32
      %dma_start3A_219 = tpu.memref_slice %arg15[%dma_start3A_217, %dma_start3A_218] : memref<625x16xf32, #tpu.memory_space<vmem>> -> memref<125x16xf32, #tpu.memory_space<vmem>>
      tpu.enqueue_dma source(%arg5 : memref<125x16xf32, #tpu.memory_space<hbm>>) target(%dma_start3A_219 : memref<125x16xf32, #tpu.memory_space<vmem>>) target_semaphore(%run_scoped3A_213 : memref<!tpu.dma_semaphore, #tpu.memory_space<semaphore_mem>>)
      %dma_wait3A_220 = arith.constant 125 : i32
      %dma_wait3A_221 = arith.constant 0 : i32
      %dma_wait3A_222 = tpu.memref_slice %arg15[%dma_wait3A_220, %dma_wait3A_221] : memref<625x16xf32, #tpu.memory_space<vmem>> -> memref<125x16xf32, #tpu.memory_space<vmem>>
      %dma_wait3A_223 = arith.constant 125 : i32
      %dma_wait3A_224 = arith.constant 0 : i32
      %dma_wait3A_225 = tpu.memref_slice %arg15[%dma_wait3A_223, %dma_wait3A_224] : memref<625x16xf32, #tpu.memory_space<vmem>> -> memref<125x16xf32, #tpu.memory_space<vmem>>
      tpu.wait_dma2 semaphore(%run_scoped3A_213 : memref<!tpu.dma_semaphore, #tpu.memory_space<semaphore_mem>>) src(%arg5 : memref<125x16xf32, #tpu.memory_space<hbm>>) dst(%dma_wait3A_225 : memref<125x16xf32, #tpu.memory_space<vmem>>)
      tpu.yield
    }) : () -> ()
    "tpu.region"() ({
      %run_scoped3A_213 = tpu.sem_alloc : memref<!tpu.dma_semaphore, #tpu.memory_space<semaphore_mem>>
      %dma_start3A_214 = arith.constant 250 : i32
      %dma_start3A_215 = arith.constant 0 : i32
      %dma_start3A_216 = tpu.memref_slice %arg15[%dma_start3A_214, %dma_start3A_215] : memref<625x16xf32, #tpu.memory_space<vmem>> -> memref<125x16xf32, #tpu.memory_space<vmem>>
      %dma_start3A_217 = arith.constant 250 : i32
      %dma_start3A_218 = arith.constant 0 : i32
      %dma_start3A_219 = tpu.memref_slice %arg15[%dma_start3A_217, %dma_start3A_218] : memref<625x16xf32, #tpu.memory_space<vmem>> -> memref<125x16xf32, #tpu.memory_space<vmem>>
      tpu.enqueue_dma source(%arg5 : memref<125x16xf32, #tpu.memory_space<hbm>>) target(%dma_start3A_219 : memref<125x16xf32, #tpu.memory_space<vmem>>) target_semaphore(%run_scoped3A_213 : memref<!tpu.dma_semaphore, #tpu.memory_space<semaphore_mem>>)
      %dma_wait3A_220 = arith.constant 250 : i32
      %dma_wait3A_221 = arith.constant 0 : i32
      %dma_wait3A_222 = tpu.memref_slice %arg15[%dma_wait3A_220, %dma_wait3A_221] : memref<625x16xf32, #tpu.memory_space<vmem>> -> memref<125x16xf32, #tpu.memory_space<vmem>>
      %dma_wait3A_223 = arith.constant 250 : i32
      %dma_wait3A_224 = arith.constant 0 : i32
      %dma_wait3A_225 = tpu.memref_slice %arg15[%dma_wait3A_223, %dma_wait3A_224] : memref<625x16xf32, #tpu.memory_space<vmem>> -> memref<125x16xf32, #tpu.memory_space<vmem>>
      tpu.wait_dma2 semaphore(%run_scoped3A_213 : memref<!tpu.dma_semaphore, #tpu.memory_space<semaphore_mem>>) src(%arg5 : memref<125x16xf32, #tpu.memory_space<hbm>>) dst(%dma_wait3A_225 : memref<125x16xf32, #tpu.memory_space<vmem>>)
      tpu.yield
    }) : () -> ()
    "tpu.region"() ({
      %run_scoped3A_213 = tpu.sem_alloc : memref<!tpu.dma_semaphore, #tpu.memory_space<semaphore_mem>>
      %dma_start3A_214 = arith.constant 375 : i32
      %dma_start3A_215 = arith.constant 0 : i32
      %dma_start3A_216 = tpu.memref_slice %arg15[%dma_start3A_214, %dma_start3A_215] : memref<625x16xf32, #tpu.memory_space<vmem>> -> memref<125x16xf32, #tpu.memory_space<vmem>>
      %dma_start3A_217 = arith.constant 375 : i32
      %dma_start3A_218 = arith.constant 0 : i32
      %dma_start3A_219 = tpu.memref_slice %arg15[%dma_start3A_217, %dma_start3A_218] : memref<625x16xf32, #tpu.memory_space<vmem>> -> memref<125x16xf32, #tpu.memory_space<vmem>>
      tpu.enqueue_dma source(%arg5 : memref<125x16xf32, #tpu.memory_space<hbm>>) target(%dma_start3A_219 : memref<125x16xf32, #tpu.memory_space<vmem>>) target_semaphore(%run_scoped3A_213 : memref<!tpu.dma_semaphore, #tpu.memory_space<semaphore_mem>>)
      %dma_wait3A_220 = arith.constant 375 : i32
      %dma_wait3A_221 = arith.constant 0 : i32
      %dma_wait3A_222 = tpu.memref_slice %arg15[%dma_wait3A_220, %dma_wait3A_221] : memref<625x16xf32, #tpu.memory_space<vmem>> -> memref<125x16xf32, #tpu.memory_space<vmem>>
      %dma_wait3A_223 = arith.constant 375 : i32
      %dma_wait3A_224 = arith.constant 0 : i32
      %dma_wait3A_225 = tpu.memref_slice %arg15[%dma_wait3A_223, %dma_wait3A_224] : memref<625x16xf32, #tpu.memory_space<vmem>> -> memref<125x16xf32, #tpu.memory_space<vmem>>
      tpu.wait_dma2 semaphore(%run_scoped3A_213 : memref<!tpu.dma_semaphore, #tpu.memory_space<semaphore_mem>>) src(%arg5 : memref<125x16xf32, #tpu.memory_space<hbm>>) dst(%dma_wait3A_225 : memref<125x16xf32, #tpu.memory_space<vmem>>)
      tpu.yield
    }) : () -> ()
    "tpu.region"() ({
      %run_scoped3A_213 = tpu.sem_alloc : memref<!tpu.dma_semaphore, #tpu.memory_space<semaphore_mem>>
      %dma_start3A_214 = arith.constant 500 : i32
      %dma_start3A_215 = arith.constant 0 : i32
      %dma_start3A_216 = tpu.memref_slice %arg15[%dma_start3A_214, %dma_start3A_215] : memref<625x16xf32, #tpu.memory_space<vmem>> -> memref<125x16xf32, #tpu.memory_space<vmem>>
      %dma_start3A_217 = arith.constant 500 : i32
      %dma_start3A_218 = arith.constant 0 : i32
      %dma_start3A_219 = tpu.memref_slice %arg15[%dma_start3A_217, %dma_start3A_218] : memref<625x16xf32, #tpu.memory_space<vmem>> -> memref<125x16xf32, #tpu.memory_space<vmem>>
      tpu.enqueue_dma source(%arg5 : memref<125x16xf32, #tpu.memory_space<hbm>>) target(%dma_start3A_219 : memref<125x16xf32, #tpu.memory_space<vmem>>) target_semaphore(%run_scoped3A_213 : memref<!tpu.dma_semaphore, #tpu.memory_space<semaphore_mem>>)
      %dma_wait3A_220 = arith.constant 500 : i32
      %dma_wait3A_221 = arith.constant 0 : i32
      %dma_wait3A_222 = tpu.memref_slice %arg15[%dma_wait3A_220, %dma_wait3A_221] : memref<625x16xf32, #tpu.memory_space<vmem>> -> memref<125x16xf32, #tpu.memory_space<vmem>>
      %dma_wait3A_223 = arith.constant 500 : i32
      %dma_wait3A_224 = arith.constant 0 : i32
      %dma_wait3A_225 = tpu.memref_slice %arg15[%dma_wait3A_223, %dma_wait3A_224] : memref<625x16xf32, #tpu.memory_space<vmem>> -> memref<125x16xf32, #tpu.memory_space<vmem>>
      tpu.wait_dma2 semaphore(%run_scoped3A_213 : memref<!tpu.dma_semaphore, #tpu.memory_space<semaphore_mem>>) src(%arg5 : memref<125x16xf32, #tpu.memory_space<hbm>>) dst(%dma_wait3A_225 : memref<125x16xf32, #tpu.memory_space<vmem>>)
      tpu.yield
    }) : () -> ()
    %eq3A = arith.constant 0 : i32
    %eq3A_52 = arith.cmpi eq, %arg1, %eq3A : i32
    %convert_element_type3A = arith.extui %eq3A_52 : i1 to i32
    %cond3A = arith.constant 0 : i32
    %cond3A_53 = arith.cmpi ne, %convert_element_type3A, %cond3A : i32
    scf.if %cond3A_53 {
      "tpu.region"() ({
        %run_scoped3A_213 = tpu.sem_alloc : memref<!tpu.dma_semaphore, #tpu.memory_space<semaphore_mem>>
        %dma_start3A_214 = arith.constant 0 : i32
        %dma_start3A_215 = arith.constant 0 : i32
        %dma_start3A_216 = tpu.memref_slice %arg18[%dma_start3A_214, %dma_start3A_215] : memref<625x16xf32, #tpu.memory_space<vmem_shared>> -> memref<125x16xf32, #tpu.memory_space<vmem_shared>>
        tpu.enqueue_dma source(%arg5 : memref<125x16xf32, #tpu.memory_space<hbm>>) target(%dma_start3A_216 : memref<125x16xf32, #tpu.memory_space<vmem_shared>>) target_semaphore(%run_scoped3A_213 : memref<!tpu.dma_semaphore, #tpu.memory_space<semaphore_mem>>)
        %dma_wait3A_217 = arith.constant 0 : i32
        %dma_wait3A_218 = arith.constant 0 : i32
        %dma_wait3A_219 = tpu.memref_slice %arg18[%dma_wait3A_217, %dma_wait3A_218] : memref<625x16xf32, #tpu.memory_space<vmem_shared>> -> memref<125x16xf32, #tpu.memory_space<vmem_shared>>
        tpu.wait_dma2 semaphore(%run_scoped3A_213 : memref<!tpu.dma_semaphore, #tpu.memory_space<semaphore_mem>>) src(%arg5 : memref<125x16xf32, #tpu.memory_space<hbm>>) dst(%dma_wait3A_219 : memref<125x16xf32, #tpu.memory_space<vmem_shared>>)
        tpu.yield
      }) : () -> ()
      "tpu.region"() ({
        %run_scoped3A_213 = tpu.sem_alloc : memref<!tpu.dma_semaphore, #tpu.memory_space<semaphore_mem>>
        %dma_start3A_214 = arith.constant 125 : i32
        %dma_start3A_215 = arith.constant 0 : i32
        %dma_start3A_216 = tpu.memref_slice %arg18[%dma_start3A_214, %dma_start3A_215] : memref<625x16xf32, #tpu.memory_space<vmem_shared>> -> memref<125x16xf32, #tpu.memory_space<vmem_shared>>
        tpu.enqueue_dma source(%arg5 : memref<125x16xf32, #tpu.memory_space<hbm>>) target(%dma_start3A_216 : memref<125x16xf32, #tpu.memory_space<vmem_shared>>) target_semaphore(%run_scoped3A_213 : memref<!tpu.dma_semaphore, #tpu.memory_space<semaphore_mem>>)
        %dma_wait3A_217 = arith.constant 125 : i32
        %dma_wait3A_218 = arith.constant 0 : i32
        %dma_wait3A_219 = tpu.memref_slice %arg18[%dma_wait3A_217, %dma_wait3A_218] : memref<625x16xf32, #tpu.memory_space<vmem_shared>> -> memref<125x16xf32, #tpu.memory_space<vmem_shared>>
        tpu.wait_dma2 semaphore(%run_scoped3A_213 : memref<!tpu.dma_semaphore, #tpu.memory_space<semaphore_mem>>) src(%arg5 : memref<125x16xf32, #tpu.memory_space<hbm>>) dst(%dma_wait3A_219 : memref<125x16xf32, #tpu.memory_space<vmem_shared>>)
        tpu.yield
      }) : () -> ()
      "tpu.region"() ({
        %run_scoped3A_213 = tpu.sem_alloc : memref<!tpu.dma_semaphore, #tpu.memory_space<semaphore_mem>>
        %dma_start3A_214 = arith.constant 250 : i32
        %dma_start3A_215 = arith.constant 0 : i32
        %dma_start3A_216 = tpu.memref_slice %arg18[%dma_start3A_214, %dma_start3A_215] : memref<625x16xf32, #tpu.memory_space<vmem_shared>> -> memref<125x16xf32, #tpu.memory_space<vmem_shared>>
        tpu.enqueue_dma source(%arg5 : memref<125x16xf32, #tpu.memory_space<hbm>>) target(%dma_start3A_216 : memref<125x16xf32, #tpu.memory_space<vmem_shared>>) target_semaphore(%run_scoped3A_213 : memref<!tpu.dma_semaphore, #tpu.memory_space<semaphore_mem>>)
        %dma_wait3A_217 = arith.constant 250 : i32
        %dma_wait3A_218 = arith.constant 0 : i32
        %dma_wait3A_219 = tpu.memref_slice %arg18[%dma_wait3A_217, %dma_wait3A_218] : memref<625x16xf32, #tpu.memory_space<vmem_shared>> -> memref<125x16xf32, #tpu.memory_space<vmem_shared>>
        tpu.wait_dma2 semaphore(%run_scoped3A_213 : memref<!tpu.dma_semaphore, #tpu.memory_space<semaphore_mem>>) src(%arg5 : memref<125x16xf32, #tpu.memory_space<hbm>>) dst(%dma_wait3A_219 : memref<125x16xf32, #tpu.memory_space<vmem_shared>>)
        tpu.yield
      }) : () -> ()
      "tpu.region"() ({
        %run_scoped3A_213 = tpu.sem_alloc : memref<!tpu.dma_semaphore, #tpu.memory_space<semaphore_mem>>
        %dma_start3A_214 = arith.constant 375 : i32
        %dma_start3A_215 = arith.constant 0 : i32
        %dma_start3A_216 = tpu.memref_slice %arg18[%dma_start3A_214, %dma_start3A_215] : memref<625x16xf32, #tpu.memory_space<vmem_shared>> -> memref<125x16xf32, #tpu.memory_space<vmem_shared>>
        tpu.enqueue_dma source(%arg5 : memref<125x16xf32, #tpu.memory_space<hbm>>) target(%dma_start3A_216 : memref<125x16xf32, #tpu.memory_space<vmem_shared>>) target_semaphore(%run_scoped3A_213 : memref<!tpu.dma_semaphore, #tpu.memory_space<semaphore_mem>>)
        %dma_wait3A_217 = arith.constant 375 : i32
        %dma_wait3A_218 = arith.constant 0 : i32
        %dma_wait3A_219 = tpu.memref_slice %arg18[%dma_wait3A_217, %dma_wait3A_218] : memref<625x16xf32, #tpu.memory_space<vmem_shared>> -> memref<125x16xf32, #tpu.memory_space<vmem_shared>>
        tpu.wait_dma2 semaphore(%run_scoped3A_213 : memref<!tpu.dma_semaphore, #tpu.memory_space<semaphore_mem>>) src(%arg5 : memref<125x16xf32, #tpu.memory_space<hbm>>) dst(%dma_wait3A_219 : memref<125x16xf32, #tpu.memory_space<vmem_shared>>)
        tpu.yield
      }) : () -> ()
      "tpu.region"() ({
        %run_scoped3A_213 = tpu.sem_alloc : memref<!tpu.dma_semaphore, #tpu.memory_space<semaphore_mem>>
        %dma_start3A_214 = arith.constant 500 : i32
        %dma_start3A_215 = arith.constant 0 : i32
        %dma_start3A_216 = tpu.memref_slice %arg18[%dma_start3A_214, %dma_start3A_215] : memref<625x16xf32, #tpu.memory_space<vmem_shared>> -> memref<125x16xf32, #tpu.memory_space<vmem_shared>>
        tpu.enqueue_dma source(%arg5 : memref<125x16xf32, #tpu.memory_space<hbm>>) target(%dma_start3A_216 : memref<125x16xf32, #tpu.memory_space<vmem_shared>>) target_semaphore(%run_scoped3A_213 : memref<!tpu.dma_semaphore, #tpu.memory_space<semaphore_mem>>)
        %dma_wait3A_217 = arith.constant 500 : i32
        %dma_wait3A_218 = arith.constant 0 : i32
        %dma_wait3A_219 = tpu.memref_slice %arg18[%dma_wait3A_217, %dma_wait3A_218] : memref<625x16xf32, #tpu.memory_space<vmem_shared>> -> memref<125x16xf32, #tpu.memory_space<vmem_shared>>
        tpu.wait_dma2 semaphore(%run_scoped3A_213 : memref<!tpu.dma_semaphore, #tpu.memory_space<semaphore_mem>>) src(%arg5 : memref<125x16xf32, #tpu.memory_space<hbm>>) dst(%dma_wait3A_219 : memref<125x16xf32, #tpu.memory_space<vmem_shared>>)
        tpu.yield
      }) : () -> ()
    } else {
    }
    %barrier3A = arith.constant 0 : index
    tpu.barrier barrier_id(%barrier3A)
    %broadcast_in_dim3A = arith.constant 1.000000e+00 : f32
    %broadcast_in_dim3A_54 = vector.broadcast %broadcast_in_dim3A : f32 to vector<16xf32>
    %dma_wait3A = arith.constant 0 : i32
    %dma_wait3A_55 = tpu.memref_slice %arg2[%mul3A_2, %dma_wait3A] : memref<320000x128xf32, #tpu.memory_space<hbm>> -> memref<80x128xf32, #tpu.memory_space<hbm>>
    %dma_wait3A_56 = arith.constant 0 : i32
    %dma_wait3A_57 = tpu.memref_slice %arg2[%mul3A_2, %dma_wait3A_56] : memref<320000x128xf32, #tpu.memory_space<hbm>> -> memref<80x128xf32, #tpu.memory_space<hbm>>
    tpu.wait_dma2 semaphore(%arg19 : memref<!tpu.dma_semaphore, #tpu.memory_space<semaphore_mem>>) src(%dma_wait3A_57 : memref<80x128xf32, #tpu.memory_space<hbm>>) dst(%arg12 : memref<80x128xf32, #tpu.memory_space<vmem>>)
    %dma_wait3A_58 = tpu.memref_slice %arg3[%mul3A_4] : memref<320000xi32, #tpu.memory_space<hbm>> -> memref<80xi32, #tpu.memory_space<hbm>>
    %dma_wait3A_59 = tpu.memref_slice %arg3[%mul3A_4] : memref<320000xi32, #tpu.memory_space<hbm>> -> memref<80xi32, #tpu.memory_space<hbm>>
    tpu.wait_dma2 semaphore(%arg22 : memref<!tpu.dma_semaphore, #tpu.memory_space<semaphore_mem>>) src(%dma_wait3A_59 : memref<80xi32, #tpu.memory_space<hbm>>) dst(%arg9 : memref<80xi32, #tpu.memory_space<vmem>>)
    "tpu.region"() ({
      %run_scoped3A_213 = tpu.sem_alloc : memref<!tpu.dma_semaphore, #tpu.memory_space<semaphore_mem>>
      %dma_start3A_214 = arith.constant 0 : i32
      %dma_start3A_215 = arith.constant 0 : i32
      %dma_start3A_216 = tpu.memref_slice %arg17[%dma_start3A_214, %dma_start3A_215] : memref<10000x128xf32, #tpu.memory_space<vmem_shared>> -> memref<10000x128xf32, #tpu.memory_space<vmem_shared>>
      tpu.enqueue_indirect_dma source(%arg12 : memref<80x128xf32, #tpu.memory_space<vmem>>) target(%dma_start3A_216 : memref<10000x128xf32, #tpu.memory_space<vmem_shared>>) offsets(%arg9 : memref<80xi32, #tpu.memory_space<vmem>>) semaphore(%run_scoped3A_213 : memref<!tpu.dma_semaphore, #tpu.memory_space<semaphore_mem>>) {add = true}
      %dma_wait3A_217 = arith.constant 0 : i32
      %dma_wait3A_218 = arith.constant 0 : i32
      %dma_wait3A_219 = tpu.memref_slice %arg17[%dma_wait3A_217, %dma_wait3A_218] : memref<10000x128xf32, #tpu.memory_space<vmem_shared>> -> memref<10000x128xf32, #tpu.memory_space<vmem_shared>>
      tpu.wait_indirect_dma semaphore(%run_scoped3A_213 : memref<!tpu.dma_semaphore, #tpu.memory_space<semaphore_mem>>) src(%arg12 : memref<80x128xf32, #tpu.memory_space<vmem>>) dst(%dma_wait3A_219 : memref<10000x128xf32, #tpu.memory_space<vmem_shared>>)
      tpu.yield
    }) : () -> ()
    %get3A = arith.constant 0 : index
    %get3A_60 = tpu.vector_load %arg9[%get3A] {strides = array<i32>} : memref<80xi32, #tpu.memory_space<vmem>>, vector<16xi32>,
    %shift_right_arithmetic3A = arith.constant 4 : i32
    %shift_right_arithmetic3A_61 = vector.broadcast %shift_right_arithmetic3A : i32 to vector<16xi32>
    %shift_right_arithmetic3A_62 = arith.shrsi %get3A_60, %shift_right_arithmetic3A_61 : vector<16xi32>
    %and3A = arith.constant 15 : i32
    %and3A_63 = vector.broadcast %and3A : i32 to vector<16xi32>
    %and3A_64 = arith.andi %get3A_60, %and3A_63 : vector<16xi32>
    tpu.vector_store_idx %arg15[%shift_right_arithmetic3A_62, %and3A_64], %broadcast_in_dim3A_54 {add = true} : memref<625x16xf32, #tpu.memory_space<vmem>>[vector<16xi32>, vector<16xi32>], vector<16xf32>,
    %get3A_65 = arith.constant 16 : index
    %get3A_66 = tpu.vector_load %arg9[%get3A_65] {strides = array<i32>} : memref<80xi32, #tpu.memory_space<vmem>>, vector<16xi32>,
    %shift_right_arithmetic3A_67 = arith.constant 4 : i32
    %shift_right_arithmetic3A_68 = vector.broadcast %shift_right_arithmetic3A_67 : i32 to vector<16xi32>
    %shift_right_arithmetic3A_69 = arith.shrsi %get3A_66, %shift_right_arithmetic3A_68 : vector<16xi32>
    %and3A_70 = arith.constant 15 : i32
    %and3A_71 = vector.broadcast %and3A_70 : i32 to vector<16xi32>
    %and3A_72 = arith.andi %get3A_66, %and3A_71 : vector<16xi32>
    tpu.vector_store_idx %arg15[%shift_right_arithmetic3A_69, %and3A_72], %broadcast_in_dim3A_54 {add = true} : memref<625x16xf32, #tpu.memory_space<vmem>>[vector<16xi32>, vector<16xi32>], vector<16xf32>,
    %get3A_73 = arith.constant 32 : index
    %get3A_74 = tpu.vector_load %arg9[%get3A_73] {strides = array<i32>} : memref<80xi32, #tpu.memory_space<vmem>>, vector<16xi32>,
    %shift_right_arithmetic3A_75 = arith.constant 4 : i32
    %shift_right_arithmetic3A_76 = vector.broadcast %shift_right_arithmetic3A_75 : i32 to vector<16xi32>
    %shift_right_arithmetic3A_77 = arith.shrsi %get3A_74, %shift_right_arithmetic3A_76 : vector<16xi32>
    %and3A_78 = arith.constant 15 : i32
    %and3A_79 = vector.broadcast %and3A_78 : i32 to vector<16xi32>
    %and3A_80 = arith.andi %get3A_74, %and3A_79 : vector<16xi32>
    tpu.vector_store_idx %arg15[%shift_right_arithmetic3A_77, %and3A_80], %broadcast_in_dim3A_54 {add = true} : memref<625x16xf32, #tpu.memory_space<vmem>>[vector<16xi32>, vector<16xi32>], vector<16xf32>,
    %get3A_81 = arith.constant 48 : index
    %get3A_82 = tpu.vector_load %arg9[%get3A_81] {strides = array<i32>} : memref<80xi32, #tpu.memory_space<vmem>>, vector<16xi32>,
    %shift_right_arithmetic3A_83 = arith.constant 4 : i32
    %shift_right_arithmetic3A_84 = vector.broadcast %shift_right_arithmetic3A_83 : i32 to vector<16xi32>
    %shift_right_arithmetic3A_85 = arith.shrsi %get3A_82, %shift_right_arithmetic3A_84 : vector<16xi32>
    %and3A_86 = arith.constant 15 : i32
    %and3A_87 = vector.broadcast %and3A_86 : i32 to vector<16xi32>
    %and3A_88 = arith.andi %get3A_82, %and3A_87 : vector<16xi32>
    tpu.vector_store_idx %arg15[%shift_right_arithmetic3A_85, %and3A_88], %broadcast_in_dim3A_54 {add = true} : memref<625x16xf32, #tpu.memory_space<vmem>>[vector<16xi32>, vector<16xi32>], vector<16xf32>,
    %get3A_89 = arith.constant 64 : index
    %get3A_90 = tpu.vector_load %arg9[%get3A_89] {strides = array<i32>} : memref<80xi32, #tpu.memory_space<vmem>>, vector<16xi32>,
    %shift_right_arithmetic3A_91 = arith.constant 4 : i32
    %shift_right_arithmetic3A_92 = vector.broadcast %shift_right_arithmetic3A_91 : i32 to vector<16xi32>
    %shift_right_arithmetic3A_93 = arith.shrsi %get3A_90, %shift_right_arithmetic3A_92 : vector<16xi32>
    %and3A_94 = arith.constant 15 : i32
    %and3A_95 = vector.broadcast %and3A_94 : i32 to vector<16xi32>
    %and3A_96 = arith.andi %get3A_90, %and3A_95 : vector<16xi32>
    tpu.vector_store_idx %arg15[%shift_right_arithmetic3A_93, %and3A_96], %broadcast_in_dim3A_54 {add = true} : memref<625x16xf32, #tpu.memory_space<vmem>>[vector<16xi32>, vector<16xi32>], vector<16xf32>,
    %add3A_97 = arith.constant 240 : i32
    %add3A_98 = arith.addi %mul3A_2, %add3A_97 : i32
    %dma_start3A_99 = arith.constant 0 : i32
    %dma_start3A_100 = tpu.memref_slice %arg2[%add3A_98, %dma_start3A_99] : memref<320000x128xf32, #tpu.memory_space<hbm>> -> memref<80x128xf32, #tpu.memory_space<hbm>>
    %dma_start3A_101 = arith.constant 0 : i32
    %dma_start3A_102 = tpu.memref_slice %arg2[%add3A_98, %dma_start3A_101] : memref<320000x128xf32, #tpu.memory_space<hbm>> -> memref<80x128xf32, #tpu.memory_space<hbm>>
    tpu.enqueue_dma source(%dma_start3A_102 : memref<80x128xf32, #tpu.memory_space<hbm>>) target(%arg12 : memref<80x128xf32, #tpu.memory_space<vmem>>) target_semaphore(%arg19 : memref<!tpu.dma_semaphore, #tpu.memory_space<semaphore_mem>>)
    %add3A_103 = arith.constant 240 : i32
    %add3A_104 = arith.addi %mul3A_4, %add3A_103 : i32
    %dma_start3A_105 = tpu.memref_slice %arg3[%add3A_104] : memref<320000xi32, #tpu.memory_space<hbm>> -> memref<80xi32, #tpu.memory_space<hbm>>
    %dma_start3A_106 = tpu.memref_slice %arg3[%add3A_104] : memref<320000xi32, #tpu.memory_space<hbm>> -> memref<80xi32, #tpu.memory_space<hbm>>
    tpu.enqueue_dma source(%dma_start3A_106 : memref<80xi32, #tpu.memory_space<hbm>>) target(%arg9 : memref<80xi32, #tpu.memory_space<vmem>>) target_semaphore(%arg22 : memref<!tpu.dma_semaphore, #tpu.memory_space<semaphore_mem>>)
    %dma_wait3A_107 = arith.constant 0 : i32
    %dma_wait3A_108 = tpu.memref_slice %arg2[%mul3A_2, %dma_wait3A_107] : memref<320000x128xf32, #tpu.memory_space<hbm>> -> memref<80x128xf32, #tpu.memory_space<hbm>>
    %dma_wait3A_109 = arith.constant 0 : i32
    %dma_wait3A_110 = tpu.memref_slice %arg2[%mul3A_2, %dma_wait3A_109] : memref<320000x128xf32, #tpu.memory_space<hbm>> -> memref<80x128xf32, #tpu.memory_space<hbm>>
    tpu.wait_dma2 semaphore(%arg20 : memref<!tpu.dma_semaphore, #tpu.memory_space<semaphore_mem>>) src(%dma_wait3A_110 : memref<80x128xf32, #tpu.memory_space<hbm>>) dst(%arg13 : memref<80x128xf32, #tpu.memory_space<vmem>>)
    %dma_wait3A_111 = tpu.memref_slice %arg3[%mul3A_4] : memref<320000xi32, #tpu.memory_space<hbm>> -> memref<80xi32, #tpu.memory_space<hbm>>
    %dma_wait3A_112 = tpu.memref_slice %arg3[%mul3A_4] : memref<320000xi32, #tpu.memory_space<hbm>> -> memref<80xi32, #tpu.memory_space<hbm>>
    tpu.wait_dma2 semaphore(%arg23 : memref<!tpu.dma_semaphore, #tpu.memory_space<semaphore_mem>>) src(%dma_wait3A_112 : memref<80xi32, #tpu.memory_space<hbm>>) dst(%arg10 : memref<80xi32, #tpu.memory_space<vmem>>)
    "tpu.region"() ({
      %run_scoped3A_213 = tpu.sem_alloc : memref<!tpu.dma_semaphore, #tpu.memory_space<semaphore_mem>>
      %dma_start3A_214 = arith.constant 0 : i32
      %dma_start3A_215 = arith.constant 0 : i32
      %dma_start3A_216 = tpu.memref_slice %arg17[%dma_start3A_214, %dma_start3A_215] : memref<10000x128xf32, #tpu.memory_space<vmem_shared>> -> memref<10000x128xf32, #tpu.memory_space<vmem_shared>>
      tpu.enqueue_indirect_dma source(%arg13 : memref<80x128xf32, #tpu.memory_space<vmem>>) target(%dma_start3A_216 : memref<10000x128xf32, #tpu.memory_space<vmem_shared>>) offsets(%arg10 : memref<80xi32, #tpu.memory_space<vmem>>) semaphore(%run_scoped3A_213 : memref<!tpu.dma_semaphore, #tpu.memory_space<semaphore_mem>>) {add = true}
      %dma_wait3A_217 = arith.constant 0 : i32
      %dma_wait3A_218 = arith.constant 0 : i32
      %dma_wait3A_219 = tpu.memref_slice %arg17[%dma_wait3A_217, %dma_wait3A_218] : memref<10000x128xf32, #tpu.memory_space<vmem_shared>> -> memref<10000x128xf32, #tpu.memory_space<vmem_shared>>
      tpu.wait_indirect_dma semaphore(%run_scoped3A_213 : memref<!tpu.dma_semaphore, #tpu.memory_space<semaphore_mem>>) src(%arg13 : memref<80x128xf32, #tpu.memory_space<vmem>>) dst(%dma_wait3A_219 : memref<10000x128xf32, #tpu.memory_space<vmem_shared>>)
      tpu.yield
    }) : () -> ()
    %get3A_113 = arith.constant 0 : index
    %get3A_114 = tpu.vector_load %arg10[%get3A_113] {strides = array<i32>} : memref<80xi32, #tpu.memory_space<vmem>>, vector<16xi32>,
    %shift_right_arithmetic3A_115 = arith.constant 4 : i32
    %shift_right_arithmetic3A_116 = vector.broadcast %shift_right_arithmetic3A_115 : i32 to vector<16xi32>
    %shift_right_arithmetic3A_117 = arith.shrsi %get3A_114, %shift_right_arithmetic3A_116 : vector<16xi32>
    %and3A_118 = arith.constant 15 : i32
    %and3A_119 = vector.broadcast %and3A_118 : i32 to vector<16xi32>
    %and3A_120 = arith.andi %get3A_114, %and3A_119 : vector<16xi32>
    tpu.vector_store_idx %arg15[%shift_right_arithmetic3A_117, %and3A_120], %broadcast_in_dim3A_54 {add = true} : memref<625x16xf32, #tpu.memory_space<vmem>>[vector<16xi32>, vector<16xi32>], vector<16xf32>,
    %get3A_121 = arith.constant 16 : index
    %get3A_122 = tpu.vector_load %arg10[%get3A_121] {strides = array<i32>} : memref<80xi32, #tpu.memory_space<vmem>>, vector<16xi32>,
    %shift_right_arithmetic3A_123 = arith.constant 4 : i32
    %shift_right_arithmetic3A_124 = vector.broadcast %shift_right_arithmetic3A_123 : i32 to vector<16xi32>
    %shift_right_arithmetic3A_125 = arith.shrsi %get3A_122, %shift_right_arithmetic3A_124 : vector<16xi32>
    %and3A_126 = arith.constant 15 : i32
    %and3A_127 = vector.broadcast %and3A_126 : i32 to vector<16xi32>
    %and3A_128 = arith.andi %get3A_122, %and3A_127 : vector<16xi32>
    tpu.vector_store_idx %arg15[%shift_right_arithmetic3A_125, %and3A_128], %broadcast_in_dim3A_54 {add = true} : memref<625x16xf32, #tpu.memory_space<vmem>>[vector<16xi32>, vector<16xi32>], vector<16xf32>,
    %get3A_129 = arith.constant 32 : index
    %get3A_130 = tpu.vector_load %arg10[%get3A_129] {strides = array<i32>} : memref<80xi32, #tpu.memory_space<vmem>>, vector<16xi32>,
    %shift_right_arithmetic3A_131 = arith.constant 4 : i32
    %shift_right_arithmetic3A_132 = vector.broadcast %shift_right_arithmetic3A_131 : i32 to vector<16xi32>
    %shift_right_arithmetic3A_133 = arith.shrsi %get3A_130, %shift_right_arithmetic3A_132 : vector<16xi32>
    %and3A_134 = arith.constant 15 : i32
    %and3A_135 = vector.broadcast %and3A_134 : i32 to vector<16xi32>
    %and3A_136 = arith.andi %get3A_130, %and3A_135 : vector<16xi32>
    tpu.vector_store_idx %arg15[%shift_right_arithmetic3A_133, %and3A_136], %broadcast_in_dim3A_54 {add = true} : memref<625x16xf32, #tpu.memory_space<vmem>>[vector<16xi32>, vector<16xi32>], vector<16xf32>,
    %get3A_137 = arith.constant 48 : index
    %get3A_138 = tpu.vector_load %arg10[%get3A_137] {strides = array<i32>} : memref<80xi32, #tpu.memory_space<vmem>>, vector<16xi32>,
    %shift_right_arithmetic3A_139 = arith.constant 4 : i32
    %shift_right_arithmetic3A_140 = vector.broadcast %shift_right_arithmetic3A_139 : i32 to vector<16xi32>
    %shift_right_arithmetic3A_141 = arith.shrsi %get3A_138, %shift_right_arithmetic3A_140 : vector<16xi32>
    %and3A_142 = arith.constant 15 : i32
    %and3A_143 = vector.broadcast %and3A_142 : i32 to vector<16xi32>
    %and3A_144 = arith.andi %get3A_138, %and3A_143 : vector<16xi32>
    tpu.vector_store_idx %arg15[%shift_right_arithmetic3A_141, %and3A_144], %broadcast_in_dim3A_54 {add = true} : memref<625x16xf32, #tpu.memory_space<vmem>>[vector<16xi32>, vector<16xi32>], vector<16xf32>,
    %get3A_145 = arith.constant 64 : index
    %get3A_146 = tpu.vector_load %arg10[%get3A_145] {strides = array<i32>} : memref<80xi32, #tpu.memory_space<vmem>>, vector<16xi32>,
    %shift_right_arithmetic3A_147 = arith.constant 4 : i32
    %shift_right_arithmetic3A_148 = vector.broadcast %shift_right_arithmetic3A_147 : i32 to vector<16xi32>
    %shift_right_arithmetic3A_149 = arith.shrsi %get3A_146, %shift_right_arithmetic3A_148 : vector<16xi32>
    %and3A_150 = arith.constant 15 : i32
    %and3A_151 = vector.broadcast %and3A_150 : i32 to vector<16xi32>
    %and3A_152 = arith.andi %get3A_146, %and3A_151 : vector<16xi32>
    tpu.vector_store_idx %arg15[%shift_right_arithmetic3A_149, %and3A_152], %broadcast_in_dim3A_54 {add = true} : memref<625x16xf32, #tpu.memory_space<vmem>>[vector<16xi32>, vector<16xi32>], vector<16xf32>,
    %add3A_153 = arith.constant 320 : i32
    %add3A_154 = arith.addi %mul3A_2, %add3A_153 : i32
    %dma_start3A_155 = arith.constant 0 : i32
    %dma_start3A_156 = tpu.memref_slice %arg2[%add3A_154, %dma_start3A_155] : memref<320000x128xf32, #tpu.memory_space<hbm>> -> memref<80x128xf32, #tpu.memory_space<hbm>>
    %dma_start3A_157 = arith.constant 0 : i32
    %dma_start3A_158 = tpu.memref_slice %arg2[%add3A_154, %dma_start3A_157] : memref<320000x128xf32, #tpu.memory_space<hbm>> -> memref<80x128xf32, #tpu.memory_space<hbm>>
    tpu.enqueue_dma source(%dma_start3A_158 : memref<80x128xf32, #tpu.memory_space<hbm>>) target(%arg13 : memref<80x128xf32, #tpu.memory_space<vmem>>) target_semaphore(%arg20 : memref<!tpu.dma_semaphore, #tpu.memory_space<semaphore_mem>>)
    %add3A_159 = arith.constant 320 : i32
    %add3A_160 = arith.addi %mul3A_4, %add3A_159 : i32
    %dma_start3A_161 = tpu.memref_slice %arg3[%add3A_160] : memref<320000xi32, #tpu.memory_space<hbm>> -> memref<80xi32, #tpu.memory_space<hbm>>
    %dma_start3A_162 = tpu.memref_slice %arg3[%add3A_160] : memref<320000xi32, #tpu.memory_space<hbm>> -> memref<80xi32, #tpu.memory_space<hbm>>
    tpu.enqueue_dma source(%dma_start3A_162 : memref<80xi32, #tpu.memory_space<hbm>>) target(%arg10 : memref<80xi32, #tpu.memory_space<vmem>>) target_semaphore(%arg23 : memref<!tpu.dma_semaphore, #tpu.memory_space<semaphore_mem>>)
    %scan3A = arith.constant 0 : i32
    %scan3A_163 = arith.constant 0 : i32
    %scan3A_164 = arith.constant 41 : i32
    %scan3A_165 = arith.addi %scan3A_163, %scan3A_164 : i32
    %scan3A_166 = arith.constant 1 : i32
    scf.for %scan3A_213 = %scan3A_163 to %scan3A_165 step %scan3A_166  : i32 {
      %mul3A_214 = arith.constant 3 : i32
      %mul3A_215 = arith.muli %mul3A_214, %scan3A_213 : i32
      %add3A_216 = arith.constant 2 : i32
      %add3A_217 = arith.addi %mul3A_215, %add3A_216 : i32
      %add3A_218 = arith.constant 0 : i32
      %add3A_219 = arith.addi %add3A_217, %add3A_218 : i32
      %dma_wait3A_220 = arith.constant 0 : i32
      %dma_wait3A_221 = tpu.memref_slice %arg2[%mul3A_2, %dma_wait3A_220] : memref<320000x128xf32, #tpu.memory_space<hbm>> -> memref<80x128xf32, #tpu.memory_space<hbm>>
      %dma_wait3A_222 = arith.constant 0 : i32
      %dma_wait3A_223 = tpu.memref_slice %arg2[%mul3A_2, %dma_wait3A_222] : memref<320000x128xf32, #tpu.memory_space<hbm>> -> memref<80x128xf32, #tpu.memory_space<hbm>>
      tpu.wait_dma2 semaphore(%arg21 : memref<!tpu.dma_semaphore, #tpu.memory_space<semaphore_mem>>) src(%dma_wait3A_223 : memref<80x128xf32, #tpu.memory_space<hbm>>) dst(%arg14 : memref<80x128xf32, #tpu.memory_space<vmem>>)
      %dma_wait3A_224 = tpu.memref_slice %arg3[%mul3A_4] : memref<320000xi32, #tpu.memory_space<hbm>> -> memref<80xi32, #tpu.memory_space<hbm>>
      %dma_wait3A_225 = tpu.memref_slice %arg3[%mul3A_4] : memref<320000xi32, #tpu.memory_space<hbm>> -> memref<80xi32, #tpu.memory_space<hbm>>
      tpu.wait_dma2 semaphore(%arg24 : memref<!tpu.dma_semaphore, #tpu.memory_space<semaphore_mem>>) src(%dma_wait3A_225 : memref<80xi32, #tpu.memory_space<hbm>>) dst(%arg11 : memref<80xi32, #tpu.memory_space<vmem>>)
      "tpu.region"() ({
        %run_scoped3A_390 = tpu.sem_alloc : memref<!tpu.dma_semaphore, #tpu.memory_space<semaphore_mem>>
        %dma_start3A_391 = arith.constant 0 : i32
        %dma_start3A_392 = arith.constant 0 : i32
        %dma_start3A_393 = tpu.memref_slice %arg17[%dma_start3A_391, %dma_start3A_392] : memref<10000x128xf32, #tpu.memory_space<vmem_shared>> -> memref<10000x128xf32, #tpu.memory_space<vmem_shared>>
        tpu.enqueue_indirect_dma source(%arg14 : memref<80x128xf32, #tpu.memory_space<vmem>>) target(%dma_start3A_393 : memref<10000x128xf32, #tpu.memory_space<vmem_shared>>) offsets(%arg11 : memref<80xi32, #tpu.memory_space<vmem>>) semaphore(%run_scoped3A_390 : memref<!tpu.dma_semaphore, #tpu.memory_space<semaphore_mem>>) {add = true}
        %dma_wait3A_394 = arith.constant 0 : i32
        %dma_wait3A_395 = arith.constant 0 : i32
        %dma_wait3A_396 = tpu.memref_slice %arg17[%dma_wait3A_394, %dma_wait3A_395] : memref<10000x128xf32, #tpu.memory_space<vmem_shared>> -> memref<10000x128xf32, #tpu.memory_space<vmem_shared>>
        tpu.wait_indirect_dma semaphore(%run_scoped3A_390 : memref<!tpu.dma_semaphore, #tpu.memory_space<semaphore_mem>>) src(%arg14 : memref<80x128xf32, #tpu.memory_space<vmem>>) dst(%dma_wait3A_396 : memref<10000x128xf32, #tpu.memory_space<vmem_shared>>)
        tpu.yield
      }) : () -> ()
      %get3A_226 = arith.constant 0 : index
      %get3A_227 = tpu.vector_load %arg11[%get3A_226] {strides = array<i32>} : memref<80xi32, #tpu.memory_space<vmem>>, vector<16xi32>,
      %shift_right_arithmetic3A_228 = arith.constant 4 : i32
      %shift_right_arithmetic3A_229 = vector.broadcast %shift_right_arithmetic3A_228 : i32 to vector<16xi32>
      %shift_right_arithmetic3A_230 = arith.shrsi %get3A_227, %shift_right_arithmetic3A_229 : vector<16xi32>
      %and3A_231 = arith.constant 15 : i32
      %and3A_232 = vector.broadcast %and3A_231 : i32 to vector<16xi32>
      %and3A_233 = arith.andi %get3A_227, %and3A_232 : vector<16xi32>
      tpu.vector_store_idx %arg15[%shift_right_arithmetic3A_230, %and3A_233], %broadcast_in_dim3A_54 {add = true} : memref<625x16xf32, #tpu.memory_space<vmem>>[vector<16xi32>, vector<16xi32>], vector<16xf32>,
      %get3A_234 = arith.constant 16 : index
      %get3A_235 = tpu.vector_load %arg11[%get3A_234] {strides = array<i32>} : memref<80xi32, #tpu.memory_space<vmem>>, vector<16xi32>,
      %shift_right_arithmetic3A_236 = arith.constant 4 : i32
      %shift_right_arithmetic3A_237 = vector.broadcast %shift_right_arithmetic3A_236 : i32 to vector<16xi32>
      %shift_right_arithmetic3A_238 = arith.shrsi %get3A_235, %shift_right_arithmetic3A_237 : vector<16xi32>
      %and3A_239 = arith.constant 15 : i32
      %and3A_240 = vector.broadcast %and3A_239 : i32 to vector<16xi32>
      %and3A_241 = arith.andi %get3A_235, %and3A_240 : vector<16xi32>
      tpu.vector_store_idx %arg15[%shift_right_arithmetic3A_238, %and3A_241], %broadcast_in_dim3A_54 {add = true} : memref<625x16xf32, #tpu.memory_space<vmem>>[vector<16xi32>, vector<16xi32>], vector<16xf32>,
      %get3A_242 = arith.constant 32 : index
      %get3A_243 = tpu.vector_load %arg11[%get3A_242] {strides = array<i32>} : memref<80xi32, #tpu.memory_space<vmem>>, vector<16xi32>,
      %shift_right_arithmetic3A_244 = arith.constant 4 : i32
      %shift_right_arithmetic3A_245 = vector.broadcast %shift_right_arithmetic3A_244 : i32 to vector<16xi32>
      %shift_right_arithmetic3A_246 = arith.shrsi %get3A_243, %shift_right_arithmetic3A_245 : vector<16xi32>
      %and3A_247 = arith.constant 15 : i32
      %and3A_248 = vector.broadcast %and3A_247 : i32 to vector<16xi32>
      %and3A_249 = arith.andi %get3A_243, %and3A_248 : vector<16xi32>
      tpu.vector_store_idx %arg15[%shift_right_arithmetic3A_246, %and3A_249], %broadcast_in_dim3A_54 {add = true} : memref<625x16xf32, #tpu.memory_space<vmem>>[vector<16xi32>, vector<16xi32>], vector<16xf32>,
      %get3A_250 = arith.constant 48 : index
      %get3A_251 = tpu.vector_load %arg11[%get3A_250] {strides = array<i32>} : memref<80xi32, #tpu.memory_space<vmem>>, vector<16xi32>,
      %shift_right_arithmetic3A_252 = arith.constant 4 : i32
      %shift_right_arithmetic3A_253 = vector.broadcast %shift_right_arithmetic3A_252 : i32 to vector<16xi32>
      %shift_right_arithmetic3A_254 = arith.shrsi %get3A_251, %shift_right_arithmetic3A_253 : vector<16xi32>
      %and3A_255 = arith.constant 15 : i32
      %and3A_256 = vector.broadcast %and3A_255 : i32 to vector<16xi32>
      %and3A_257 = arith.andi %get3A_251, %and3A_256 : vector<16xi32>
      tpu.vector_store_idx %arg15[%shift_right_arithmetic3A_254, %and3A_257], %broadcast_in_dim3A_54 {add = true} : memref<625x16xf32, #tpu.memory_space<vmem>>[vector<16xi32>, vector<16xi32>], vector<16xf32>,
      %get3A_258 = arith.constant 64 : index
      %get3A_259 = tpu.vector_load %arg11[%get3A_258] {strides = array<i32>} : memref<80xi32, #tpu.memory_space<vmem>>, vector<16xi32>,
      %shift_right_arithmetic3A_260 = arith.constant 4 : i32
      %shift_right_arithmetic3A_261 = vector.broadcast %shift_right_arithmetic3A_260 : i32 to vector<16xi32>
      %shift_right_arithmetic3A_262 = arith.shrsi %get3A_259, %shift_right_arithmetic3A_261 : vector<16xi32>
      %and3A_263 = arith.constant 15 : i32
      %and3A_264 = vector.broadcast %and3A_263 : i32 to vector<16xi32>
      %and3A_265 = arith.andi %get3A_259, %and3A_264 : vector<16xi32>
      tpu.vector_store_idx %arg15[%shift_right_arithmetic3A_262, %and3A_265], %broadcast_in_dim3A_54 {add = true} : memref<625x16xf32, #tpu.memory_space<vmem>>[vector<16xi32>, vector<16xi32>], vector<16xf32>,
      %add3A_266 = arith.constant 3 : i32
      %add3A_267 = arith.addi %add3A_219, %add3A_266 : i32
      %lt3A = arith.constant 125 : i32
      %lt3A_268 = arith.cmpi slt, %add3A_267, %lt3A : i32
      %convert_element_type3A_269 = arith.extui %lt3A_268 : i1 to i32
      %cond3A_270 = arith.constant 0 : i32
      %cond3A_271 = arith.cmpi ne, %convert_element_type3A_269, %cond3A_270 : i32
      scf.if %cond3A_271 {
        %add3A_390 = arith.constant 3 : i32
        %add3A_391 = arith.addi %add3A_219, %add3A_390 : i32
        %mul3A_392 = arith.constant 80 : i32
        %mul3A_393 = arith.muli %add3A_391, %mul3A_392 : i32
        %add3A_394 = arith.addi %mul3A_2, %mul3A_393 : i32
        %dma_start3A_395 = arith.constant 0 : i32
        %dma_start3A_396 = tpu.memref_slice %arg2[%add3A_394, %dma_start3A_395] : memref<320000x128xf32, #tpu.memory_space<hbm>> -> memref<80x128xf32, #tpu.memory_space<hbm>>
        %dma_start3A_397 = arith.constant 0 : i32
        %dma_start3A_398 = tpu.memref_slice %arg2[%add3A_394, %dma_start3A_397] : memref<320000x128xf32, #tpu.memory_space<hbm>> -> memref<80x128xf32, #tpu.memory_space<hbm>>
        tpu.enqueue_dma source(%dma_start3A_398 : memref<80x128xf32, #tpu.memory_space<hbm>>) target(%arg14 : memref<80x128xf32, #tpu.memory_space<vmem>>) target_semaphore(%arg21 : memref<!tpu.dma_semaphore, #tpu.memory_space<semaphore_mem>>)
        %mul3A_399 = arith.constant 80 : i32
        %mul3A_400 = arith.muli %add3A_391, %mul3A_399 : i32
        %add3A_401 = arith.addi %mul3A_4, %mul3A_400 : i32
        %dma_start3A_402 = tpu.memref_slice %arg3[%add3A_401] : memref<320000xi32, #tpu.memory_space<hbm>> -> memref<80xi32, #tpu.memory_space<hbm>>
        %dma_start3A_403 = tpu.memref_slice %arg3[%add3A_401] : memref<320000xi32, #tpu.memory_space<hbm>> -> memref<80xi32, #tpu.memory_space<hbm>>
        tpu.enqueue_dma source(%dma_start3A_403 : memref<80xi32, #tpu.memory_space<hbm>>) target(%arg11 : memref<80xi32, #tpu.memory_space<vmem>>) target_semaphore(%arg24 : memref<!tpu.dma_semaphore, #tpu.memory_space<semaphore_mem>>)
      } else {
      }
      %mul3A_272 = arith.constant 3 : i32
      %mul3A_273 = arith.muli %mul3A_272, %scan3A_213 : i32
      %add3A_274 = arith.constant 2 : i32
      %add3A_275 = arith.addi %mul3A_273, %add3A_274 : i32
      %add3A_276 = arith.constant 1 : i32
      %add3A_277 = arith.addi %add3A_275, %add3A_276 : i32
      %dma_wait3A_278 = arith.constant 0 : i32
      %dma_wait3A_279 = tpu.memref_slice %arg2[%mul3A_2, %dma_wait3A_278] : memref<320000x128xf32, #tpu.memory_space<hbm>> -> memref<80x128xf32, #tpu.memory_space<hbm>>
      %dma_wait3A_280 = arith.constant 0 : i32
      %dma_wait3A_281 = tpu.memref_slice %arg2[%mul3A_2, %dma_wait3A_280] : memref<320000x128xf32, #tpu.memory_space<hbm>> -> memref<80x128xf32, #tpu.memory_space<hbm>>
      tpu.wait_dma2 semaphore(%arg19 : memref<!tpu.dma_semaphore, #tpu.memory_space<semaphore_mem>>) src(%dma_wait3A_281 : memref<80x128xf32, #tpu.memory_space<hbm>>) dst(%arg12 : memref<80x128xf32, #tpu.memory_space<vmem>>)
      %dma_wait3A_282 = tpu.memref_slice %arg3[%mul3A_4] : memref<320000xi32, #tpu.memory_space<hbm>> -> memref<80xi32, #tpu.memory_space<hbm>>
      %dma_wait3A_283 = tpu.memref_slice %arg3[%mul3A_4] : memref<320000xi32, #tpu.memory_space<hbm>> -> memref<80xi32, #tpu.memory_space<hbm>>
      tpu.wait_dma2 semaphore(%arg22 : memref<!tpu.dma_semaphore, #tpu.memory_space<semaphore_mem>>) src(%dma_wait3A_283 : memref<80xi32, #tpu.memory_space<hbm>>) dst(%arg9 : memref<80xi32, #tpu.memory_space<vmem>>)
      "tpu.region"() ({
        %run_scoped3A_390 = tpu.sem_alloc : memref<!tpu.dma_semaphore, #tpu.memory_space<semaphore_mem>>
        %dma_start3A_391 = arith.constant 0 : i32
        %dma_start3A_392 = arith.constant 0 : i32
        %dma_start3A_393 = tpu.memref_slice %arg17[%dma_start3A_391, %dma_start3A_392] : memref<10000x128xf32, #tpu.memory_space<vmem_shared>> -> memref<10000x128xf32, #tpu.memory_space<vmem_shared>>
        tpu.enqueue_indirect_dma source(%arg12 : memref<80x128xf32, #tpu.memory_space<vmem>>) target(%dma_start3A_393 : memref<10000x128xf32, #tpu.memory_space<vmem_shared>>) offsets(%arg9 : memref<80xi32, #tpu.memory_space<vmem>>) semaphore(%run_scoped3A_390 : memref<!tpu.dma_semaphore, #tpu.memory_space<semaphore_mem>>) {add = true}
        %dma_wait3A_394 = arith.constant 0 : i32
        %dma_wait3A_395 = arith.constant 0 : i32
        %dma_wait3A_396 = tpu.memref_slice %arg17[%dma_wait3A_394, %dma_wait3A_395] : memref<10000x128xf32, #tpu.memory_space<vmem_shared>> -> memref<10000x128xf32, #tpu.memory_space<vmem_shared>>
        tpu.wait_indirect_dma semaphore(%run_scoped3A_390 : memref<!tpu.dma_semaphore, #tpu.memory_space<semaphore_mem>>) src(%arg12 : memref<80x128xf32, #tpu.memory_space<vmem>>) dst(%dma_wait3A_396 : memref<10000x128xf32, #tpu.memory_space<vmem_shared>>)
        tpu.yield
      }) : () -> ()
      %get3A_284 = arith.constant 0 : index
      %get3A_285 = tpu.vector_load %arg9[%get3A_284] {strides = array<i32>} : memref<80xi32, #tpu.memory_space<vmem>>, vector<16xi32>,
      %shift_right_arithmetic3A_286 = arith.constant 4 : i32
      %shift_right_arithmetic3A_287 = vector.broadcast %shift_right_arithmetic3A_286 : i32 to vector<16xi32>
      %shift_right_arithmetic3A_288 = arith.shrsi %get3A_285, %shift_right_arithmetic3A_287 : vector<16xi32>
      %and3A_289 = arith.constant 15 : i32
      %and3A_290 = vector.broadcast %and3A_289 : i32 to vector<16xi32>
      %and3A_291 = arith.andi %get3A_285, %and3A_290 : vector<16xi32>
      tpu.vector_store_idx %arg15[%shift_right_arithmetic3A_288, %and3A_291], %broadcast_in_dim3A_54 {add = true} : memref<625x16xf32, #tpu.memory_space<vmem>>[vector<16xi32>, vector<16xi32>], vector<16xf32>,
      %get3A_292 = arith.constant 16 : index
      %get3A_293 = tpu.vector_load %arg9[%get3A_292] {strides = array<i32>} : memref<80xi32, #tpu.memory_space<vmem>>, vector<16xi32>,
      %shift_right_arithmetic3A_294 = arith.constant 4 : i32
      %shift_right_arithmetic3A_295 = vector.broadcast %shift_right_arithmetic3A_294 : i32 to vector<16xi32>
      %shift_right_arithmetic3A_296 = arith.shrsi %get3A_293, %shift_right_arithmetic3A_295 : vector<16xi32>
      %and3A_297 = arith.constant 15 : i32
      %and3A_298 = vector.broadcast %and3A_297 : i32 to vector<16xi32>
      %and3A_299 = arith.andi %get3A_293, %and3A_298 : vector<16xi32>
      tpu.vector_store_idx %arg15[%shift_right_arithmetic3A_296, %and3A_299], %broadcast_in_dim3A_54 {add = true} : memref<625x16xf32, #tpu.memory_space<vmem>>[vector<16xi32>, vector<16xi32>], vector<16xf32>,
      %get3A_300 = arith.constant 32 : index
      %get3A_301 = tpu.vector_load %arg9[%get3A_300] {strides = array<i32>} : memref<80xi32, #tpu.memory_space<vmem>>, vector<16xi32>,
      %shift_right_arithmetic3A_302 = arith.constant 4 : i32
      %shift_right_arithmetic3A_303 = vector.broadcast %shift_right_arithmetic3A_302 : i32 to vector<16xi32>
      %shift_right_arithmetic3A_304 = arith.shrsi %get3A_301, %shift_right_arithmetic3A_303 : vector<16xi32>
      %and3A_305 = arith.constant 15 : i32
      %and3A_306 = vector.broadcast %and3A_305 : i32 to vector<16xi32>
      %and3A_307 = arith.andi %get3A_301, %and3A_306 : vector<16xi32>
      tpu.vector_store_idx %arg15[%shift_right_arithmetic3A_304, %and3A_307], %broadcast_in_dim3A_54 {add = true} : memref<625x16xf32, #tpu.memory_space<vmem>>[vector<16xi32>, vector<16xi32>], vector<16xf32>,
      %get3A_308 = arith.constant 48 : index
      %get3A_309 = tpu.vector_load %arg9[%get3A_308] {strides = array<i32>} : memref<80xi32, #tpu.memory_space<vmem>>, vector<16xi32>,
      %shift_right_arithmetic3A_310 = arith.constant 4 : i32
      %shift_right_arithmetic3A_311 = vector.broadcast %shift_right_arithmetic3A_310 : i32 to vector<16xi32>
      %shift_right_arithmetic3A_312 = arith.shrsi %get3A_309, %shift_right_arithmetic3A_311 : vector<16xi32>
      %and3A_313 = arith.constant 15 : i32
      %and3A_314 = vector.broadcast %and3A_313 : i32 to vector<16xi32>
      %and3A_315 = arith.andi %get3A_309, %and3A_314 : vector<16xi32>
      tpu.vector_store_idx %arg15[%shift_right_arithmetic3A_312, %and3A_315], %broadcast_in_dim3A_54 {add = true} : memref<625x16xf32, #tpu.memory_space<vmem>>[vector<16xi32>, vector<16xi32>], vector<16xf32>,
      %get3A_316 = arith.constant 64 : index
      %get3A_317 = tpu.vector_load %arg9[%get3A_316] {strides = array<i32>} : memref<80xi32, #tpu.memory_space<vmem>>, vector<16xi32>,
      %shift_right_arithmetic3A_318 = arith.constant 4 : i32
      %shift_right_arithmetic3A_319 = vector.broadcast %shift_right_arithmetic3A_318 : i32 to vector<16xi32>
      %shift_right_arithmetic3A_320 = arith.shrsi %get3A_317, %shift_right_arithmetic3A_319 : vector<16xi32>
      %and3A_321 = arith.constant 15 : i32
      %and3A_322 = vector.broadcast %and3A_321 : i32 to vector<16xi32>
      %and3A_323 = arith.andi %get3A_317, %and3A_322 : vector<16xi32>
      tpu.vector_store_idx %arg15[%shift_right_arithmetic3A_320, %and3A_323], %broadcast_in_dim3A_54 {add = true} : memref<625x16xf32, #tpu.memory_space<vmem>>[vector<16xi32>, vector<16xi32>], vector<16xf32>,
      %add3A_324 = arith.constant 3 : i32
      %add3A_325 = arith.addi %add3A_277, %add3A_324 : i32
      %lt3A_326 = arith.constant 125 : i32
      %lt3A_327 = arith.cmpi slt, %add3A_325, %lt3A_326 : i32
      %convert_element_type3A_328 = arith.extui %lt3A_327 : i1 to i32
      %cond3A_329 = arith.constant 0 : i32
      %cond3A_330 = arith.cmpi ne, %convert_element_type3A_328, %cond3A_329 : i32
      scf.if %cond3A_330 {
        %add3A_390 = arith.constant 3 : i32
        %add3A_391 = arith.addi %add3A_277, %add3A_390 : i32
        %mul3A_392 = arith.constant 80 : i32
        %mul3A_393 = arith.muli %add3A_391, %mul3A_392 : i32
        %add3A_394 = arith.addi %mul3A_2, %mul3A_393 : i32
        %dma_start3A_395 = arith.constant 0 : i32
        %dma_start3A_396 = tpu.memref_slice %arg2[%add3A_394, %dma_start3A_395] : memref<320000x128xf32, #tpu.memory_space<hbm>> -> memref<80x128xf32, #tpu.memory_space<hbm>>
        %dma_start3A_397 = arith.constant 0 : i32
        %dma_start3A_398 = tpu.memref_slice %arg2[%add3A_394, %dma_start3A_397] : memref<320000x128xf32, #tpu.memory_space<hbm>> -> memref<80x128xf32, #tpu.memory_space<hbm>>
        tpu.enqueue_dma source(%dma_start3A_398 : memref<80x128xf32, #tpu.memory_space<hbm>>) target(%arg12 : memref<80x128xf32, #tpu.memory_space<vmem>>) target_semaphore(%arg19 : memref<!tpu.dma_semaphore, #tpu.memory_space<semaphore_mem>>)
        %mul3A_399 = arith.constant 80 : i32
        %mul3A_400 = arith.muli %add3A_391, %mul3A_399 : i32
        %add3A_401 = arith.addi %mul3A_4, %mul3A_400 : i32
        %dma_start3A_402 = tpu.memref_slice %arg3[%add3A_401] : memref<320000xi32, #tpu.memory_space<hbm>> -> memref<80xi32, #tpu.memory_space<hbm>>
        %dma_start3A_403 = tpu.memref_slice %arg3[%add3A_401] : memref<320000xi32, #tpu.memory_space<hbm>> -> memref<80xi32, #tpu.memory_space<hbm>>
        tpu.enqueue_dma source(%dma_start3A_403 : memref<80xi32, #tpu.memory_space<hbm>>) target(%arg9 : memref<80xi32, #tpu.memory_space<vmem>>) target_semaphore(%arg22 : memref<!tpu.dma_semaphore, #tpu.memory_space<semaphore_mem>>)
      } else {
      }
      %mul3A_331 = arith.constant 3 : i32
      %mul3A_332 = arith.muli %mul3A_331, %scan3A_213 : i32
      %add3A_333 = arith.constant 2 : i32
      %add3A_334 = arith.addi %mul3A_332, %add3A_333 : i32
      %add3A_335 = arith.constant 2 : i32
      %add3A_336 = arith.addi %add3A_334, %add3A_335 : i32
      %dma_wait3A_337 = arith.constant 0 : i32
      %dma_wait3A_338 = tpu.memref_slice %arg2[%mul3A_2, %dma_wait3A_337] : memref<320000x128xf32, #tpu.memory_space<hbm>> -> memref<80x128xf32, #tpu.memory_space<hbm>>
      %dma_wait3A_339 = arith.constant 0 : i32
      %dma_wait3A_340 = tpu.memref_slice %arg2[%mul3A_2, %dma_wait3A_339] : memref<320000x128xf32, #tpu.memory_space<hbm>> -> memref<80x128xf32, #tpu.memory_space<hbm>>
      tpu.wait_dma2 semaphore(%arg20 : memref<!tpu.dma_semaphore, #tpu.memory_space<semaphore_mem>>) src(%dma_wait3A_340 : memref<80x128xf32, #tpu.memory_space<hbm>>) dst(%arg13 : memref<80x128xf32, #tpu.memory_space<vmem>>)
      %dma_wait3A_341 = tpu.memref_slice %arg3[%mul3A_4] : memref<320000xi32, #tpu.memory_space<hbm>> -> memref<80xi32, #tpu.memory_space<hbm>>
      %dma_wait3A_342 = tpu.memref_slice %arg3[%mul3A_4] : memref<320000xi32, #tpu.memory_space<hbm>> -> memref<80xi32, #tpu.memory_space<hbm>>
      tpu.wait_dma2 semaphore(%arg23 : memref<!tpu.dma_semaphore, #tpu.memory_space<semaphore_mem>>) src(%dma_wait3A_342 : memref<80xi32, #tpu.memory_space<hbm>>) dst(%arg10 : memref<80xi32, #tpu.memory_space<vmem>>)
      "tpu.region"() ({
        %run_scoped3A_390 = tpu.sem_alloc : memref<!tpu.dma_semaphore, #tpu.memory_space<semaphore_mem>>
        %dma_start3A_391 = arith.constant 0 : i32
        %dma_start3A_392 = arith.constant 0 : i32
        %dma_start3A_393 = tpu.memref_slice %arg17[%dma_start3A_391, %dma_start3A_392] : memref<10000x128xf32, #tpu.memory_space<vmem_shared>> -> memref<10000x128xf32, #tpu.memory_space<vmem_shared>>
        tpu.enqueue_indirect_dma source(%arg13 : memref<80x128xf32, #tpu.memory_space<vmem>>) target(%dma_start3A_393 : memref<10000x128xf32, #tpu.memory_space<vmem_shared>>) offsets(%arg10 : memref<80xi32, #tpu.memory_space<vmem>>) semaphore(%run_scoped3A_390 : memref<!tpu.dma_semaphore, #tpu.memory_space<semaphore_mem>>) {add = true}
        %dma_wait3A_394 = arith.constant 0 : i32
        %dma_wait3A_395 = arith.constant 0 : i32
        %dma_wait3A_396 = tpu.memref_slice %arg17[%dma_wait3A_394, %dma_wait3A_395] : memref<10000x128xf32, #tpu.memory_space<vmem_shared>> -> memref<10000x128xf32, #tpu.memory_space<vmem_shared>>
        tpu.wait_indirect_dma semaphore(%run_scoped3A_390 : memref<!tpu.dma_semaphore, #tpu.memory_space<semaphore_mem>>) src(%arg13 : memref<80x128xf32, #tpu.memory_space<vmem>>) dst(%dma_wait3A_396 : memref<10000x128xf32, #tpu.memory_space<vmem_shared>>)
        tpu.yield
      }) : () -> ()
      %get3A_343 = arith.constant 0 : index
      %get3A_344 = tpu.vector_load %arg10[%get3A_343] {strides = array<i32>} : memref<80xi32, #tpu.memory_space<vmem>>, vector<16xi32>,
      %shift_right_arithmetic3A_345 = arith.constant 4 : i32
      %shift_right_arithmetic3A_346 = vector.broadcast %shift_right_arithmetic3A_345 : i32 to vector<16xi32>
      %shift_right_arithmetic3A_347 = arith.shrsi %get3A_344, %shift_right_arithmetic3A_346 : vector<16xi32>
      %and3A_348 = arith.constant 15 : i32
      %and3A_349 = vector.broadcast %and3A_348 : i32 to vector<16xi32>
      %and3A_350 = arith.andi %get3A_344, %and3A_349 : vector<16xi32>
      tpu.vector_store_idx %arg15[%shift_right_arithmetic3A_347, %and3A_350], %broadcast_in_dim3A_54 {add = true} : memref<625x16xf32, #tpu.memory_space<vmem>>[vector<16xi32>, vector<16xi32>], vector<16xf32>,
      %get3A_351 = arith.constant 16 : index
      %get3A_352 = tpu.vector_load %arg10[%get3A_351] {strides = array<i32>} : memref<80xi32, #tpu.memory_space<vmem>>, vector<16xi32>,
      %shift_right_arithmetic3A_353 = arith.constant 4 : i32
      %shift_right_arithmetic3A_354 = vector.broadcast %shift_right_arithmetic3A_353 : i32 to vector<16xi32>
      %shift_right_arithmetic3A_355 = arith.shrsi %get3A_352, %shift_right_arithmetic3A_354 : vector<16xi32>
      %and3A_356 = arith.constant 15 : i32
      %and3A_357 = vector.broadcast %and3A_356 : i32 to vector<16xi32>
      %and3A_358 = arith.andi %get3A_352, %and3A_357 : vector<16xi32>
      tpu.vector_store_idx %arg15[%shift_right_arithmetic3A_355, %and3A_358], %broadcast_in_dim3A_54 {add = true} : memref<625x16xf32, #tpu.memory_space<vmem>>[vector<16xi32>, vector<16xi32>], vector<16xf32>,
      %get3A_359 = arith.constant 32 : index
      %get3A_360 = tpu.vector_load %arg10[%get3A_359] {strides = array<i32>} : memref<80xi32, #tpu.memory_space<vmem>>, vector<16xi32>,
      %shift_right_arithmetic3A_361 = arith.constant 4 : i32
      %shift_right_arithmetic3A_362 = vector.broadcast %shift_right_arithmetic3A_361 : i32 to vector<16xi32>
      %shift_right_arithmetic3A_363 = arith.shrsi %get3A_360, %shift_right_arithmetic3A_362 : vector<16xi32>
      %and3A_364 = arith.constant 15 : i32
      %and3A_365 = vector.broadcast %and3A_364 : i32 to vector<16xi32>
      %and3A_366 = arith.andi %get3A_360, %and3A_365 : vector<16xi32>
      tpu.vector_store_idx %arg15[%shift_right_arithmetic3A_363, %and3A_366], %broadcast_in_dim3A_54 {add = true} : memref<625x16xf32, #tpu.memory_space<vmem>>[vector<16xi32>, vector<16xi32>], vector<16xf32>,
      %get3A_367 = arith.constant 48 : index
      %get3A_368 = tpu.vector_load %arg10[%get3A_367] {strides = array<i32>} : memref<80xi32, #tpu.memory_space<vmem>>, vector<16xi32>,
      %shift_right_arithmetic3A_369 = arith.constant 4 : i32
      %shift_right_arithmetic3A_370 = vector.broadcast %shift_right_arithmetic3A_369 : i32 to vector<16xi32>
      %shift_right_arithmetic3A_371 = arith.shrsi %get3A_368, %shift_right_arithmetic3A_370 : vector<16xi32>
      %and3A_372 = arith.constant 15 : i32
      %and3A_373 = vector.broadcast %and3A_372 : i32 to vector<16xi32>
      %and3A_374 = arith.andi %get3A_368, %and3A_373 : vector<16xi32>
      tpu.vector_store_idx %arg15[%shift_right_arithmetic3A_371, %and3A_374], %broadcast_in_dim3A_54 {add = true} : memref<625x16xf32, #tpu.memory_space<vmem>>[vector<16xi32>, vector<16xi32>], vector<16xf32>,
      %get3A_375 = arith.constant 64 : index
      %get3A_376 = tpu.vector_load %arg10[%get3A_375] {strides = array<i32>} : memref<80xi32, #tpu.memory_space<vmem>>, vector<16xi32>,
      %shift_right_arithmetic3A_377 = arith.constant 4 : i32
      %shift_right_arithmetic3A_378 = vector.broadcast %shift_right_arithmetic3A_377 : i32 to vector<16xi32>
      %shift_right_arithmetic3A_379 = arith.shrsi %get3A_376, %shift_right_arithmetic3A_378 : vector<16xi32>
      %and3A_380 = arith.constant 15 : i32
      %and3A_381 = vector.broadcast %and3A_380 : i32 to vector<16xi32>
      %and3A_382 = arith.andi %get3A_376, %and3A_381 : vector<16xi32>
      tpu.vector_store_idx %arg15[%shift_right_arithmetic3A_379, %and3A_382], %broadcast_in_dim3A_54 {add = true} : memref<625x16xf32, #tpu.memory_space<vmem>>[vector<16xi32>, vector<16xi32>], vector<16xf32>,
      %add3A_383 = arith.constant 3 : i32
      %add3A_384 = arith.addi %add3A_336, %add3A_383 : i32
      %lt3A_385 = arith.constant 125 : i32
      %lt3A_386 = arith.cmpi slt, %add3A_384, %lt3A_385 : i32
      %convert_element_type3A_387 = arith.extui %lt3A_386 : i1 to i32
      %cond3A_388 = arith.constant 0 : i32
      %cond3A_389 = arith.cmpi ne, %convert_element_type3A_387, %cond3A_388 : i32
      scf.if %cond3A_389 {
        %add3A_390 = arith.constant 3 : i32
        %add3A_391 = arith.addi %add3A_336, %add3A_390 : i32
        %mul3A_392 = arith.constant 80 : i32
        %mul3A_393 = arith.muli %add3A_391, %mul3A_392 : i32
        %add3A_394 = arith.addi %mul3A_2, %mul3A_393 : i32
        %dma_start3A_395 = arith.constant 0 : i32
        %dma_start3A_396 = tpu.memref_slice %arg2[%add3A_394, %dma_start3A_395] : memref<320000x128xf32, #tpu.memory_space<hbm>> -> memref<80x128xf32, #tpu.memory_space<hbm>>
        %dma_start3A_397 = arith.constant 0 : i32
        %dma_start3A_398 = tpu.memref_slice %arg2[%add3A_394, %dma_start3A_397] : memref<320000x128xf32, #tpu.memory_space<hbm>> -> memref<80x128xf32, #tpu.memory_space<hbm>>
        tpu.enqueue_dma source(%dma_start3A_398 : memref<80x128xf32, #tpu.memory_space<hbm>>) target(%arg13 : memref<80x128xf32, #tpu.memory_space<vmem>>) target_semaphore(%arg20 : memref<!tpu.dma_semaphore, #tpu.memory_space<semaphore_mem>>)
        %mul3A_399 = arith.constant 80 : i32
        %mul3A_400 = arith.muli %add3A_391, %mul3A_399 : i32
        %add3A_401 = arith.addi %mul3A_4, %mul3A_400 : i32
        %dma_start3A_402 = tpu.memref_slice %arg3[%add3A_401] : memref<320000xi32, #tpu.memory_space<hbm>> -> memref<80xi32, #tpu.memory_space<hbm>>
        %dma_start3A_403 = tpu.memref_slice %arg3[%add3A_401] : memref<320000xi32, #tpu.memory_space<hbm>> -> memref<80xi32, #tpu.memory_space<hbm>>
        tpu.enqueue_dma source(%dma_start3A_403 : memref<80xi32, #tpu.memory_space<hbm>>) target(%arg10 : memref<80xi32, #tpu.memory_space<vmem>>) target_semaphore(%arg23 : memref<!tpu.dma_semaphore, #tpu.memory_space<semaphore_mem>>)
      } else {
      }
    }
    %scan3A_167 = arith.constant 41 : i32
    %run_scoped3A = arith.constant 0 : i32
    "tpu.region"() ({
      %run_scoped3A_213 = tpu.sem_alloc : memref<!tpu.dma_semaphore, #tpu.memory_space<semaphore_mem>>
      %dma_start3A_214 = arith.constant 0 : i32
      %dma_start3A_215 = arith.constant 0 : i32
      %dma_start3A_216 = tpu.memref_slice %arg15[%dma_start3A_214, %dma_start3A_215] : memref<625x16xf32, #tpu.memory_space<vmem>> -> memref<125x16xf32, #tpu.memory_space<vmem>>
      %dma_start3A_217 = arith.constant 0 : i32
      %dma_start3A_218 = tpu.memref_slice %arg16[%run_scoped3A, %dma_start3A_217] : memref<5x125xi32, #tpu.memory_space<vmem>> -> memref<1x125xi32, #tpu.memory_space<vmem>>
      %dma_start3A_219 = tpu.memref_squeeze %dma_start3A_218 : memref<1x125xi32, #tpu.memory_space<vmem>> -> memref<125xi32, #tpu.memory_space<vmem>>
      %dma_start3A_220 = arith.constant 0 : i32
      %dma_start3A_221 = arith.constant 0 : i32
      %dma_start3A_222 = tpu.memref_slice %arg18[%dma_start3A_220, %dma_start3A_221] : memref<625x16xf32, #tpu.memory_space<vmem_shared>> -> memref<625x16xf32, #tpu.memory_space<vmem_shared>>
      tpu.enqueue_indirect_dma source(%dma_start3A_216 : memref<125x16xf32, #tpu.memory_space<vmem>>) target(%dma_start3A_222 : memref<625x16xf32, #tpu.memory_space<vmem_shared>>) offsets(%dma_start3A_219 : memref<125xi32, #tpu.memory_space<vmem>>) semaphore(%run_scoped3A_213 : memref<!tpu.dma_semaphore, #tpu.memory_space<semaphore_mem>>) {add = true}
      %dma_wait3A_223 = arith.constant 0 : i32
      %dma_wait3A_224 = arith.constant 0 : i32
      %dma_wait3A_225 = tpu.memref_slice %arg15[%dma_wait3A_223, %dma_wait3A_224] : memref<625x16xf32, #tpu.memory_space<vmem>> -> memref<125x16xf32, #tpu.memory_space<vmem>>
      %dma_wait3A_226 = arith.constant 0 : i32
      %dma_wait3A_227 = tpu.memref_slice %arg16[%run_scoped3A, %dma_wait3A_226] : memref<5x125xi32, #tpu.memory_space<vmem>> -> memref<1x125xi32, #tpu.memory_space<vmem>>
      %dma_wait3A_228 = tpu.memref_squeeze %dma_wait3A_227 : memref<1x125xi32, #tpu.memory_space<vmem>> -> memref<125xi32, #tpu.memory_space<vmem>>
      %dma_wait3A_229 = arith.constant 0 : i32
      %dma_wait3A_230 = arith.constant 0 : i32
      %dma_wait3A_231 = tpu.memref_slice %arg18[%dma_wait3A_229, %dma_wait3A_230] : memref<625x16xf32, #tpu.memory_space<vmem_shared>> -> memref<625x16xf32, #tpu.memory_space<vmem_shared>>
      tpu.wait_indirect_dma semaphore(%run_scoped3A_213 : memref<!tpu.dma_semaphore, #tpu.memory_space<semaphore_mem>>) src(%dma_wait3A_225 : memref<125x16xf32, #tpu.memory_space<vmem>>) dst(%dma_wait3A_231 : memref<625x16xf32, #tpu.memory_space<vmem_shared>>)
      tpu.yield
    }) : () -> ()
    %run_scoped3A_168 = arith.constant 1 : i32
    "tpu.region"() ({
      %run_scoped3A_213 = tpu.sem_alloc : memref<!tpu.dma_semaphore, #tpu.memory_space<semaphore_mem>>
      %dma_start3A_214 = arith.constant 125 : i32
      %dma_start3A_215 = arith.constant 0 : i32
      %dma_start3A_216 = tpu.memref_slice %arg15[%dma_start3A_214, %dma_start3A_215] : memref<625x16xf32, #tpu.memory_space<vmem>> -> memref<125x16xf32, #tpu.memory_space<vmem>>
      %dma_start3A_217 = arith.constant 0 : i32
      %dma_start3A_218 = tpu.memref_slice %arg16[%run_scoped3A_168, %dma_start3A_217] : memref<5x125xi32, #tpu.memory_space<vmem>> -> memref<1x125xi32, #tpu.memory_space<vmem>>
      %dma_start3A_219 = tpu.memref_squeeze %dma_start3A_218 : memref<1x125xi32, #tpu.memory_space<vmem>> -> memref<125xi32, #tpu.memory_space<vmem>>
      %dma_start3A_220 = arith.constant 0 : i32
      %dma_start3A_221 = arith.constant 0 : i32
      %dma_start3A_222 = tpu.memref_slice %arg18[%dma_start3A_220, %dma_start3A_221] : memref<625x16xf32, #tpu.memory_space<vmem_shared>> -> memref<625x16xf32, #tpu.memory_space<vmem_shared>>
      tpu.enqueue_indirect_dma source(%dma_start3A_216 : memref<125x16xf32, #tpu.memory_space<vmem>>) target(%dma_start3A_222 : memref<625x16xf32, #tpu.memory_space<vmem_shared>>) offsets(%dma_start3A_219 : memref<125xi32, #tpu.memory_space<vmem>>) semaphore(%run_scoped3A_213 : memref<!tpu.dma_semaphore, #tpu.memory_space<semaphore_mem>>) {add = true}
      %dma_wait3A_223 = arith.constant 125 : i32
      %dma_wait3A_224 = arith.constant 0 : i32
      %dma_wait3A_225 = tpu.memref_slice %arg15[%dma_wait3A_223, %dma_wait3A_224] : memref<625x16xf32, #tpu.memory_space<vmem>> -> memref<125x16xf32, #tpu.memory_space<vmem>>
      %dma_wait3A_226 = arith.constant 0 : i32
      %dma_wait3A_227 = tpu.memref_slice %arg16[%run_scoped3A_168, %dma_wait3A_226] : memref<5x125xi32, #tpu.memory_space<vmem>> -> memref<1x125xi32, #tpu.memory_space<vmem>>
      %dma_wait3A_228 = tpu.memref_squeeze %dma_wait3A_227 : memref<1x125xi32, #tpu.memory_space<vmem>> -> memref<125xi32, #tpu.memory_space<vmem>>
      %dma_wait3A_229 = arith.constant 0 : i32
      %dma_wait3A_230 = arith.constant 0 : i32
      %dma_wait3A_231 = tpu.memref_slice %arg18[%dma_wait3A_229, %dma_wait3A_230] : memref<625x16xf32, #tpu.memory_space<vmem_shared>> -> memref<625x16xf32, #tpu.memory_space<vmem_shared>>
      tpu.wait_indirect_dma semaphore(%run_scoped3A_213 : memref<!tpu.dma_semaphore, #tpu.memory_space<semaphore_mem>>) src(%dma_wait3A_225 : memref<125x16xf32, #tpu.memory_space<vmem>>) dst(%dma_wait3A_231 : memref<625x16xf32, #tpu.memory_space<vmem_shared>>)
      tpu.yield
    }) : () -> ()
    %run_scoped3A_169 = arith.constant 2 : i32
    "tpu.region"() ({
      %run_scoped3A_213 = tpu.sem_alloc : memref<!tpu.dma_semaphore, #tpu.memory_space<semaphore_mem>>
      %dma_start3A_214 = arith.constant 250 : i32
      %dma_start3A_215 = arith.constant 0 : i32
      %dma_start3A_216 = tpu.memref_slice %arg15[%dma_start3A_214, %dma_start3A_215] : memref<625x16xf32, #tpu.memory_space<vmem>> -> memref<125x16xf32, #tpu.memory_space<vmem>>
      %dma_start3A_217 = arith.constant 0 : i32
      %dma_start3A_218 = tpu.memref_slice %arg16[%run_scoped3A_169, %dma_start3A_217] : memref<5x125xi32, #tpu.memory_space<vmem>> -> memref<1x125xi32, #tpu.memory_space<vmem>>
      %dma_start3A_219 = tpu.memref_squeeze %dma_start3A_218 : memref<1x125xi32, #tpu.memory_space<vmem>> -> memref<125xi32, #tpu.memory_space<vmem>>
      %dma_start3A_220 = arith.constant 0 : i32
      %dma_start3A_221 = arith.constant 0 : i32
      %dma_start3A_222 = tpu.memref_slice %arg18[%dma_start3A_220, %dma_start3A_221] : memref<625x16xf32, #tpu.memory_space<vmem_shared>> -> memref<625x16xf32, #tpu.memory_space<vmem_shared>>
      tpu.enqueue_indirect_dma source(%dma_start3A_216 : memref<125x16xf32, #tpu.memory_space<vmem>>) target(%dma_start3A_222 : memref<625x16xf32, #tpu.memory_space<vmem_shared>>) offsets(%dma_start3A_219 : memref<125xi32, #tpu.memory_space<vmem>>) semaphore(%run_scoped3A_213 : memref<!tpu.dma_semaphore, #tpu.memory_space<semaphore_mem>>) {add = true}
      %dma_wait3A_223 = arith.constant 250 : i32
      %dma_wait3A_224 = arith.constant 0 : i32
      %dma_wait3A_225 = tpu.memref_slice %arg15[%dma_wait3A_223, %dma_wait3A_224] : memref<625x16xf32, #tpu.memory_space<vmem>> -> memref<125x16xf32, #tpu.memory_space<vmem>>
      %dma_wait3A_226 = arith.constant 0 : i32
      %dma_wait3A_227 = tpu.memref_slice %arg16[%run_scoped3A_169, %dma_wait3A_226] : memref<5x125xi32, #tpu.memory_space<vmem>> -> memref<1x125xi32, #tpu.memory_space<vmem>>
      %dma_wait3A_228 = tpu.memref_squeeze %dma_wait3A_227 : memref<1x125xi32, #tpu.memory_space<vmem>> -> memref<125xi32, #tpu.memory_space<vmem>>
      %dma_wait3A_229 = arith.constant 0 : i32
      %dma_wait3A_230 = arith.constant 0 : i32
      %dma_wait3A_231 = tpu.memref_slice %arg18[%dma_wait3A_229, %dma_wait3A_230] : memref<625x16xf32, #tpu.memory_space<vmem_shared>> -> memref<625x16xf32, #tpu.memory_space<vmem_shared>>
      tpu.wait_indirect_dma semaphore(%run_scoped3A_213 : memref<!tpu.dma_semaphore, #tpu.memory_space<semaphore_mem>>) src(%dma_wait3A_225 : memref<125x16xf32, #tpu.memory_space<vmem>>) dst(%dma_wait3A_231 : memref<625x16xf32, #tpu.memory_space<vmem_shared>>)
      tpu.yield
    }) : () -> ()
    %run_scoped3A_170 = arith.constant 3 : i32
    "tpu.region"() ({
      %run_scoped3A_213 = tpu.sem_alloc : memref<!tpu.dma_semaphore, #tpu.memory_space<semaphore_mem>>
      %dma_start3A_214 = arith.constant 375 : i32
      %dma_start3A_215 = arith.constant 0 : i32
      %dma_start3A_216 = tpu.memref_slice %arg15[%dma_start3A_214, %dma_start3A_215] : memref<625x16xf32, #tpu.memory_space<vmem>> -> memref<125x16xf32, #tpu.memory_space<vmem>>
      %dma_start3A_217 = arith.constant 0 : i32
      %dma_start3A_218 = tpu.memref_slice %arg16[%run_scoped3A_170, %dma_start3A_217] : memref<5x125xi32, #tpu.memory_space<vmem>> -> memref<1x125xi32, #tpu.memory_space<vmem>>
      %dma_start3A_219 = tpu.memref_squeeze %dma_start3A_218 : memref<1x125xi32, #tpu.memory_space<vmem>> -> memref<125xi32, #tpu.memory_space<vmem>>
      %dma_start3A_220 = arith.constant 0 : i32
      %dma_start3A_221 = arith.constant 0 : i32
      %dma_start3A_222 = tpu.memref_slice %arg18[%dma_start3A_220, %dma_start3A_221] : memref<625x16xf32, #tpu.memory_space<vmem_shared>> -> memref<625x16xf32, #tpu.memory_space<vmem_shared>>
      tpu.enqueue_indirect_dma source(%dma_start3A_216 : memref<125x16xf32, #tpu.memory_space<vmem>>) target(%dma_start3A_222 : memref<625x16xf32, #tpu.memory_space<vmem_shared>>) offsets(%dma_start3A_219 : memref<125xi32, #tpu.memory_space<vmem>>) semaphore(%run_scoped3A_213 : memref<!tpu.dma_semaphore, #tpu.memory_space<semaphore_mem>>) {add = true}
      %dma_wait3A_223 = arith.constant 375 : i32
      %dma_wait3A_224 = arith.constant 0 : i32
      %dma_wait3A_225 = tpu.memref_slice %arg15[%dma_wait3A_223, %dma_wait3A_224] : memref<625x16xf32, #tpu.memory_space<vmem>> -> memref<125x16xf32, #tpu.memory_space<vmem>>
      %dma_wait3A_226 = arith.constant 0 : i32
      %dma_wait3A_227 = tpu.memref_slice %arg16[%run_scoped3A_170, %dma_wait3A_226] : memref<5x125xi32, #tpu.memory_space<vmem>> -> memref<1x125xi32, #tpu.memory_space<vmem>>
      %dma_wait3A_228 = tpu.memref_squeeze %dma_wait3A_227 : memref<1x125xi32, #tpu.memory_space<vmem>> -> memref<125xi32, #tpu.memory_space<vmem>>
      %dma_wait3A_229 = arith.constant 0 : i32
      %dma_wait3A_230 = arith.constant 0 : i32
      %dma_wait3A_231 = tpu.memref_slice %arg18[%dma_wait3A_229, %dma_wait3A_230] : memref<625x16xf32, #tpu.memory_space<vmem_shared>> -> memref<625x16xf32, #tpu.memory_space<vmem_shared>>
      tpu.wait_indirect_dma semaphore(%run_scoped3A_213 : memref<!tpu.dma_semaphore, #tpu.memory_space<semaphore_mem>>) src(%dma_wait3A_225 : memref<125x16xf32, #tpu.memory_space<vmem>>) dst(%dma_wait3A_231 : memref<625x16xf32, #tpu.memory_space<vmem_shared>>)
      tpu.yield
    }) : () -> ()
    %run_scoped3A_171 = arith.constant 4 : i32
    "tpu.region"() ({
      %run_scoped3A_213 = tpu.sem_alloc : memref<!tpu.dma_semaphore, #tpu.memory_space<semaphore_mem>>
      %dma_start3A_214 = arith.constant 500 : i32
      %dma_start3A_215 = arith.constant 0 : i32
      %dma_start3A_216 = tpu.memref_slice %arg15[%dma_start3A_214, %dma_start3A_215] : memref<625x16xf32, #tpu.memory_space<vmem>> -> memref<125x16xf32, #tpu.memory_space<vmem>>
      %dma_start3A_217 = arith.constant 0 : i32
      %dma_start3A_218 = tpu.memref_slice %arg16[%run_scoped3A_171, %dma_start3A_217] : memref<5x125xi32, #tpu.memory_space<vmem>> -> memref<1x125xi32, #tpu.memory_space<vmem>>
      %dma_start3A_219 = tpu.memref_squeeze %dma_start3A_218 : memref<1x125xi32, #tpu.memory_space<vmem>> -> memref<125xi32, #tpu.memory_space<vmem>>
      %dma_start3A_220 = arith.constant 0 : i32
      %dma_start3A_221 = arith.constant 0 : i32
      %dma_start3A_222 = tpu.memref_slice %arg18[%dma_start3A_220, %dma_start3A_221] : memref<625x16xf32, #tpu.memory_space<vmem_shared>> -> memref<625x16xf32, #tpu.memory_space<vmem_shared>>
      tpu.enqueue_indirect_dma source(%dma_start3A_216 : memref<125x16xf32, #tpu.memory_space<vmem>>) target(%dma_start3A_222 : memref<625x16xf32, #tpu.memory_space<vmem_shared>>) offsets(%dma_start3A_219 : memref<125xi32, #tpu.memory_space<vmem>>) semaphore(%run_scoped3A_213 : memref<!tpu.dma_semaphore, #tpu.memory_space<semaphore_mem>>) {add = true}
      %dma_wait3A_223 = arith.constant 500 : i32
      %dma_wait3A_224 = arith.constant 0 : i32
      %dma_wait3A_225 = tpu.memref_slice %arg15[%dma_wait3A_223, %dma_wait3A_224] : memref<625x16xf32, #tpu.memory_space<vmem>> -> memref<125x16xf32, #tpu.memory_space<vmem>>
      %dma_wait3A_226 = arith.constant 0 : i32
      %dma_wait3A_227 = tpu.memref_slice %arg16[%run_scoped3A_171, %dma_wait3A_226] : memref<5x125xi32, #tpu.memory_space<vmem>> -> memref<1x125xi32, #tpu.memory_space<vmem>>
      %dma_wait3A_228 = tpu.memref_squeeze %dma_wait3A_227 : memref<1x125xi32, #tpu.memory_space<vmem>> -> memref<125xi32, #tpu.memory_space<vmem>>
      %dma_wait3A_229 = arith.constant 0 : i32
      %dma_wait3A_230 = arith.constant 0 : i32
      %dma_wait3A_231 = tpu.memref_slice %arg18[%dma_wait3A_229, %dma_wait3A_230] : memref<625x16xf32, #tpu.memory_space<vmem_shared>> -> memref<625x16xf32, #tpu.memory_space<vmem_shared>>
      tpu.wait_indirect_dma semaphore(%run_scoped3A_213 : memref<!tpu.dma_semaphore, #tpu.memory_space<semaphore_mem>>) src(%dma_wait3A_225 : memref<125x16xf32, #tpu.memory_space<vmem>>) dst(%dma_wait3A_231 : memref<625x16xf32, #tpu.memory_space<vmem_shared>>)
      tpu.yield
    }) : () -> ()
    %barrier3A_172 = arith.constant 0 : index
    tpu.barrier barrier_id(%barrier3A_172)
    %mul3A_173 = arith.constant 10000 : i32
    %mul3A_174 = arith.muli %arg0, %mul3A_173 : i32
    %add3A_175 = arith.addi %mul3A_174, %mul3A_6 : i32
    %add3A_176 = arith.constant 0 : i32
    %add3A_177 = arith.addi %mul3A_6, %add3A_176 : i32
    "tpu.region"() ({
      %run_scoped3A_213 = tpu.sem_alloc : memref<!tpu.dma_semaphore, #tpu.memory_space<semaphore_mem>>
      %dma_start3A_214 = arith.constant 0 : i32
      %dma_start3A_215 = arith.constant 0 : i32
      %dma_start3A_216 = tpu.memref_slice %arg12[%dma_start3A_214, %dma_start3A_215] : memref<80x128xf32, #tpu.memory_space<vmem>> -> memref<80x128xf32, #tpu.memory_space<vmem>>
      %dma_start3A_217 = arith.constant 0 : i32
      %dma_start3A_218 = tpu.memref_slice %arg17[%add3A_177, %dma_start3A_217] : memref<10000x128xf32, #tpu.memory_space<vmem_shared>> -> memref<80x128xf32, #tpu.memory_space<vmem_shared>>
      %dma_start3A_219 = arith.constant 0 : i32
      %dma_start3A_220 = arith.constant 0 : i32
      %dma_start3A_221 = tpu.memref_slice %arg12[%dma_start3A_219, %dma_start3A_220] : memref<80x128xf32, #tpu.memory_space<vmem>> -> memref<80x128xf32, #tpu.memory_space<vmem>>
      %dma_start3A_222 = arith.constant 0 : i32
      %dma_start3A_223 = tpu.memref_slice %arg17[%add3A_177, %dma_start3A_222] : memref<10000x128xf32, #tpu.memory_space<vmem_shared>> -> memref<80x128xf32, #tpu.memory_space<vmem_shared>>
      tpu.enqueue_dma source(%dma_start3A_223 : memref<80x128xf32, #tpu.memory_space<vmem_shared>>) target(%dma_start3A_221 : memref<80x128xf32, #tpu.memory_space<vmem>>) target_semaphore(%run_scoped3A_213 : memref<!tpu.dma_semaphore, #tpu.memory_space<semaphore_mem>>)
      %dma_wait3A_224 = arith.constant 0 : i32
      %dma_wait3A_225 = arith.constant 0 : i32
      %dma_wait3A_226 = tpu.memref_slice %arg12[%dma_wait3A_224, %dma_wait3A_225] : memref<80x128xf32, #tpu.memory_space<vmem>> -> memref<80x128xf32, #tpu.memory_space<vmem>>
      %dma_wait3A_227 = arith.constant 0 : i32
      %dma_wait3A_228 = tpu.memref_slice %arg17[%add3A_177, %dma_wait3A_227] : memref<10000x128xf32, #tpu.memory_space<vmem_shared>> -> memref<80x128xf32, #tpu.memory_space<vmem_shared>>
      %dma_wait3A_229 = arith.constant 0 : i32
      %dma_wait3A_230 = arith.constant 0 : i32
      %dma_wait3A_231 = tpu.memref_slice %arg12[%dma_wait3A_229, %dma_wait3A_230] : memref<80x128xf32, #tpu.memory_space<vmem>> -> memref<80x128xf32, #tpu.memory_space<vmem>>
      %dma_wait3A_232 = arith.constant 0 : i32
      %dma_wait3A_233 = tpu.memref_slice %arg17[%add3A_177, %dma_wait3A_232] : memref<10000x128xf32, #tpu.memory_space<vmem_shared>> -> memref<80x128xf32, #tpu.memory_space<vmem_shared>>
      tpu.wait_dma2 semaphore(%run_scoped3A_213 : memref<!tpu.dma_semaphore, #tpu.memory_space<semaphore_mem>>) src(%dma_wait3A_233 : memref<80x128xf32, #tpu.memory_space<vmem_shared>>) dst(%dma_wait3A_231 : memref<80x128xf32, #tpu.memory_space<vmem>>)
      tpu.yield
    }) : () -> ()
    %add3A_178 = arith.constant 0 : i32
    %add3A_179 = arith.addi %add3A_175, %add3A_178 : i32
    "tpu.region"() ({
      %run_scoped3A_213 = tpu.sem_alloc : memref<!tpu.dma_semaphore, #tpu.memory_space<semaphore_mem>>
      %dma_start3A_214 = arith.constant 0 : i32
      %dma_start3A_215 = arith.constant 0 : i32
      %dma_start3A_216 = tpu.memref_slice %arg12[%dma_start3A_214, %dma_start3A_215] : memref<80x128xf32, #tpu.memory_space<vmem>> -> memref<80x128xf32, #tpu.memory_space<vmem>>
      %dma_start3A_217 = arith.constant 0 : i32
      %dma_start3A_218 = tpu.memref_slice %arg7[%add3A_179, %dma_start3A_217] : memref<20000x128xf32, #tpu.memory_space<hbm>> -> memref<80x128xf32, #tpu.memory_space<hbm>>
      %dma_start3A_219 = arith.constant 0 : i32
      %dma_start3A_220 = tpu.memref_slice %arg7[%add3A_179, %dma_start3A_219] : memref<20000x128xf32, #tpu.memory_space<hbm>> -> memref<80x128xf32, #tpu.memory_space<hbm>>
      %dma_start3A_221 = arith.constant 0 : i32
      %dma_start3A_222 = arith.constant 0 : i32
      %dma_start3A_223 = tpu.memref_slice %arg12[%dma_start3A_221, %dma_start3A_222] : memref<80x128xf32, #tpu.memory_space<vmem>> -> memref<80x128xf32, #tpu.memory_space<vmem>>
      tpu.enqueue_dma source(%dma_start3A_223 : memref<80x128xf32, #tpu.memory_space<vmem>>) target(%dma_start3A_220 : memref<80x128xf32, #tpu.memory_space<hbm>>) target_semaphore(%run_scoped3A_213 : memref<!tpu.dma_semaphore, #tpu.memory_space<semaphore_mem>>)
      %dma_wait3A_224 = arith.constant 0 : i32
      %dma_wait3A_225 = arith.constant 0 : i32
      %dma_wait3A_226 = tpu.memref_slice %arg12[%dma_wait3A_224, %dma_wait3A_225] : memref<80x128xf32, #tpu.memory_space<vmem>> -> memref<80x128xf32, #tpu.memory_space<vmem>>
      %dma_wait3A_227 = arith.constant 0 : i32
      %dma_wait3A_228 = tpu.memref_slice %arg7[%add3A_179, %dma_wait3A_227] : memref<20000x128xf32, #tpu.memory_space<hbm>> -> memref<80x128xf32, #tpu.memory_space<hbm>>
      %dma_wait3A_229 = arith.constant 0 : i32
      %dma_wait3A_230 = tpu.memref_slice %arg7[%add3A_179, %dma_wait3A_229] : memref<20000x128xf32, #tpu.memory_space<hbm>> -> memref<80x128xf32, #tpu.memory_space<hbm>>
      %dma_wait3A_231 = arith.constant 0 : i32
      %dma_wait3A_232 = arith.constant 0 : i32
      %dma_wait3A_233 = tpu.memref_slice %arg12[%dma_wait3A_231, %dma_wait3A_232] : memref<80x128xf32, #tpu.memory_space<vmem>> -> memref<80x128xf32, #tpu.memory_space<vmem>>
      tpu.wait_dma2 semaphore(%run_scoped3A_213 : memref<!tpu.dma_semaphore, #tpu.memory_space<semaphore_mem>>) src(%dma_wait3A_233 : memref<80x128xf32, #tpu.memory_space<vmem>>) dst(%dma_wait3A_230 : memref<80x128xf32, #tpu.memory_space<hbm>>)
      tpu.yield
    }) : () -> ()
    %add3A_180 = arith.constant 80 : i32
    %add3A_181 = arith.addi %mul3A_6, %add3A_180 : i32
    "tpu.region"() ({
      %run_scoped3A_213 = tpu.sem_alloc : memref<!tpu.dma_semaphore, #tpu.memory_space<semaphore_mem>>
      %dma_start3A_214 = arith.constant 0 : i32
      %dma_start3A_215 = arith.constant 0 : i32
      %dma_start3A_216 = tpu.memref_slice %arg12[%dma_start3A_214, %dma_start3A_215] : memref<80x128xf32, #tpu.memory_space<vmem>> -> memref<80x128xf32, #tpu.memory_space<vmem>>
      %dma_start3A_217 = arith.constant 0 : i32
      %dma_start3A_218 = tpu.memref_slice %arg17[%add3A_181, %dma_start3A_217] : memref<10000x128xf32, #tpu.memory_space<vmem_shared>> -> memref<80x128xf32, #tpu.memory_space<vmem_shared>>
      %dma_start3A_219 = arith.constant 0 : i32
      %dma_start3A_220 = arith.constant 0 : i32
      %dma_start3A_221 = tpu.memref_slice %arg12[%dma_start3A_219, %dma_start3A_220] : memref<80x128xf32, #tpu.memory_space<vmem>> -> memref<80x128xf32, #tpu.memory_space<vmem>>
      %dma_start3A_222 = arith.constant 0 : i32
      %dma_start3A_223 = tpu.memref_slice %arg17[%add3A_181, %dma_start3A_222] : memref<10000x128xf32, #tpu.memory_space<vmem_shared>> -> memref<80x128xf32, #tpu.memory_space<vmem_shared>>
      tpu.enqueue_dma source(%dma_start3A_223 : memref<80x128xf32, #tpu.memory_space<vmem_shared>>) target(%dma_start3A_221 : memref<80x128xf32, #tpu.memory_space<vmem>>) target_semaphore(%run_scoped3A_213 : memref<!tpu.dma_semaphore, #tpu.memory_space<semaphore_mem>>)
      %dma_wait3A_224 = arith.constant 0 : i32
      %dma_wait3A_225 = arith.constant 0 : i32
      %dma_wait3A_226 = tpu.memref_slice %arg12[%dma_wait3A_224, %dma_wait3A_225] : memref<80x128xf32, #tpu.memory_space<vmem>> -> memref<80x128xf32, #tpu.memory_space<vmem>>
      %dma_wait3A_227 = arith.constant 0 : i32
      %dma_wait3A_228 = tpu.memref_slice %arg17[%add3A_181, %dma_wait3A_227] : memref<10000x128xf32, #tpu.memory_space<vmem_shared>> -> memref<80x128xf32, #tpu.memory_space<vmem_shared>>
      %dma_wait3A_229 = arith.constant 0 : i32
      %dma_wait3A_230 = arith.constant 0 : i32
      %dma_wait3A_231 = tpu.memref_slice %arg12[%dma_wait3A_229, %dma_wait3A_230] : memref<80x128xf32, #tpu.memory_space<vmem>> -> memref<80x128xf32, #tpu.memory_space<vmem>>
      %dma_wait3A_232 = arith.constant 0 : i32
      %dma_wait3A_233 = tpu.memref_slice %arg17[%add3A_181, %dma_wait3A_232] : memref<10000x128xf32, #tpu.memory_space<vmem_shared>> -> memref<80x128xf32, #tpu.memory_space<vmem_shared>>
      tpu.wait_dma2 semaphore(%run_scoped3A_213 : memref<!tpu.dma_semaphore, #tpu.memory_space<semaphore_mem>>) src(%dma_wait3A_233 : memref<80x128xf32, #tpu.memory_space<vmem_shared>>) dst(%dma_wait3A_231 : memref<80x128xf32, #tpu.memory_space<vmem>>)
      tpu.yield
    }) : () -> ()
    %add3A_182 = arith.constant 80 : i32
    %add3A_183 = arith.addi %add3A_175, %add3A_182 : i32
    "tpu.region"() ({
      %run_scoped3A_213 = tpu.sem_alloc : memref<!tpu.dma_semaphore, #tpu.memory_space<semaphore_mem>>
      %dma_start3A_214 = arith.constant 0 : i32
      %dma_start3A_215 = arith.constant 0 : i32
      %dma_start3A_216 = tpu.memref_slice %arg12[%dma_start3A_214, %dma_start3A_215] : memref<80x128xf32, #tpu.memory_space<vmem>> -> memref<80x128xf32, #tpu.memory_space<vmem>>
      %dma_start3A_217 = arith.constant 0 : i32
      %dma_start3A_218 = tpu.memref_slice %arg7[%add3A_183, %dma_start3A_217] : memref<20000x128xf32, #tpu.memory_space<hbm>> -> memref<80x128xf32, #tpu.memory_space<hbm>>
      %dma_start3A_219 = arith.constant 0 : i32
      %dma_start3A_220 = tpu.memref_slice %arg7[%add3A_183, %dma_start3A_219] : memref<20000x128xf32, #tpu.memory_space<hbm>> -> memref<80x128xf32, #tpu.memory_space<hbm>>
      %dma_start3A_221 = arith.constant 0 : i32
      %dma_start3A_222 = arith.constant 0 : i32
      %dma_start3A_223 = tpu.memref_slice %arg12[%dma_start3A_221, %dma_start3A_222] : memref<80x128xf32, #tpu.memory_space<vmem>> -> memref<80x128xf32, #tpu.memory_space<vmem>>
      tpu.enqueue_dma source(%dma_start3A_223 : memref<80x128xf32, #tpu.memory_space<vmem>>) target(%dma_start3A_220 : memref<80x128xf32, #tpu.memory_space<hbm>>) target_semaphore(%run_scoped3A_213 : memref<!tpu.dma_semaphore, #tpu.memory_space<semaphore_mem>>)
      %dma_wait3A_224 = arith.constant 0 : i32
      %dma_wait3A_225 = arith.constant 0 : i32
      %dma_wait3A_226 = tpu.memref_slice %arg12[%dma_wait3A_224, %dma_wait3A_225] : memref<80x128xf32, #tpu.memory_space<vmem>> -> memref<80x128xf32, #tpu.memory_space<vmem>>
      %dma_wait3A_227 = arith.constant 0 : i32
      %dma_wait3A_228 = tpu.memref_slice %arg7[%add3A_183, %dma_wait3A_227] : memref<20000x128xf32, #tpu.memory_space<hbm>> -> memref<80x128xf32, #tpu.memory_space<hbm>>
      %dma_wait3A_229 = arith.constant 0 : i32
      %dma_wait3A_230 = tpu.memref_slice %arg7[%add3A_183, %dma_wait3A_229] : memref<20000x128xf32, #tpu.memory_space<hbm>> -> memref<80x128xf32, #tpu.memory_space<hbm>>
      %dma_wait3A_231 = arith.constant 0 : i32
      %dma_wait3A_232 = arith.constant 0 : i32
      %dma_wait3A_233 = tpu.memref_slice %arg12[%dma_wait3A_231, %dma_wait3A_232] : memref<80x128xf32, #tpu.memory_space<vmem>> -> memref<80x128xf32, #tpu.memory_space<vmem>>
      tpu.wait_dma2 semaphore(%run_scoped3A_213 : memref<!tpu.dma_semaphore, #tpu.memory_space<semaphore_mem>>) src(%dma_wait3A_233 : memref<80x128xf32, #tpu.memory_space<vmem>>) dst(%dma_wait3A_230 : memref<80x128xf32, #tpu.memory_space<hbm>>)
      tpu.yield
    }) : () -> ()
    %add3A_184 = arith.constant 160 : i32
    %add3A_185 = arith.addi %mul3A_6, %add3A_184 : i32
    "tpu.region"() ({
      %run_scoped3A_213 = tpu.sem_alloc : memref<!tpu.dma_semaphore, #tpu.memory_space<semaphore_mem>>
      %dma_start3A_214 = arith.constant 0 : i32
      %dma_start3A_215 = arith.constant 0 : i32
      %dma_start3A_216 = tpu.memref_slice %arg12[%dma_start3A_214, %dma_start3A_215] : memref<80x128xf32, #tpu.memory_space<vmem>> -> memref<80x128xf32, #tpu.memory_space<vmem>>
      %dma_start3A_217 = arith.constant 0 : i32
      %dma_start3A_218 = tpu.memref_slice %arg17[%add3A_185, %dma_start3A_217] : memref<10000x128xf32, #tpu.memory_space<vmem_shared>> -> memref<80x128xf32, #tpu.memory_space<vmem_shared>>
      %dma_start3A_219 = arith.constant 0 : i32
      %dma_start3A_220 = arith.constant 0 : i32
      %dma_start3A_221 = tpu.memref_slice %arg12[%dma_start3A_219, %dma_start3A_220] : memref<80x128xf32, #tpu.memory_space<vmem>> -> memref<80x128xf32, #tpu.memory_space<vmem>>
      %dma_start3A_222 = arith.constant 0 : i32
      %dma_start3A_223 = tpu.memref_slice %arg17[%add3A_185, %dma_start3A_222] : memref<10000x128xf32, #tpu.memory_space<vmem_shared>> -> memref<80x128xf32, #tpu.memory_space<vmem_shared>>
      tpu.enqueue_dma source(%dma_start3A_223 : memref<80x128xf32, #tpu.memory_space<vmem_shared>>) target(%dma_start3A_221 : memref<80x128xf32, #tpu.memory_space<vmem>>) target_semaphore(%run_scoped3A_213 : memref<!tpu.dma_semaphore, #tpu.memory_space<semaphore_mem>>)
      %dma_wait3A_224 = arith.constant 0 : i32
      %dma_wait3A_225 = arith.constant 0 : i32
      %dma_wait3A_226 = tpu.memref_slice %arg12[%dma_wait3A_224, %dma_wait3A_225] : memref<80x128xf32, #tpu.memory_space<vmem>> -> memref<80x128xf32, #tpu.memory_space<vmem>>
      %dma_wait3A_227 = arith.constant 0 : i32
      %dma_wait3A_228 = tpu.memref_slice %arg17[%add3A_185, %dma_wait3A_227] : memref<10000x128xf32, #tpu.memory_space<vmem_shared>> -> memref<80x128xf32, #tpu.memory_space<vmem_shared>>
      %dma_wait3A_229 = arith.constant 0 : i32
      %dma_wait3A_230 = arith.constant 0 : i32
      %dma_wait3A_231 = tpu.memref_slice %arg12[%dma_wait3A_229, %dma_wait3A_230] : memref<80x128xf32, #tpu.memory_space<vmem>> -> memref<80x128xf32, #tpu.memory_space<vmem>>
      %dma_wait3A_232 = arith.constant 0 : i32
      %dma_wait3A_233 = tpu.memref_slice %arg17[%add3A_185, %dma_wait3A_232] : memref<10000x128xf32, #tpu.memory_space<vmem_shared>> -> memref<80x128xf32, #tpu.memory_space<vmem_shared>>
      tpu.wait_dma2 semaphore(%run_scoped3A_213 : memref<!tpu.dma_semaphore, #tpu.memory_space<semaphore_mem>>) src(%dma_wait3A_233 : memref<80x128xf32, #tpu.memory_space<vmem_shared>>) dst(%dma_wait3A_231 : memref<80x128xf32, #tpu.memory_space<vmem>>)
      tpu.yield
    }) : () -> ()
    %add3A_186 = arith.constant 160 : i32
    %add3A_187 = arith.addi %add3A_175, %add3A_186 : i32
    "tpu.region"() ({
      %run_scoped3A_213 = tpu.sem_alloc : memref<!tpu.dma_semaphore, #tpu.memory_space<semaphore_mem>>
      %dma_start3A_214 = arith.constant 0 : i32
      %dma_start3A_215 = arith.constant 0 : i32
      %dma_start3A_216 = tpu.memref_slice %arg12[%dma_start3A_214, %dma_start3A_215] : memref<80x128xf32, #tpu.memory_space<vmem>> -> memref<80x128xf32, #tpu.memory_space<vmem>>
      %dma_start3A_217 = arith.constant 0 : i32
      %dma_start3A_218 = tpu.memref_slice %arg7[%add3A_187, %dma_start3A_217] : memref<20000x128xf32, #tpu.memory_space<hbm>> -> memref<80x128xf32, #tpu.memory_space<hbm>>
      %dma_start3A_219 = arith.constant 0 : i32
      %dma_start3A_220 = tpu.memref_slice %arg7[%add3A_187, %dma_start3A_219] : memref<20000x128xf32, #tpu.memory_space<hbm>> -> memref<80x128xf32, #tpu.memory_space<hbm>>
      %dma_start3A_221 = arith.constant 0 : i32
      %dma_start3A_222 = arith.constant 0 : i32
      %dma_start3A_223 = tpu.memref_slice %arg12[%dma_start3A_221, %dma_start3A_222] : memref<80x128xf32, #tpu.memory_space<vmem>> -> memref<80x128xf32, #tpu.memory_space<vmem>>
      tpu.enqueue_dma source(%dma_start3A_223 : memref<80x128xf32, #tpu.memory_space<vmem>>) target(%dma_start3A_220 : memref<80x128xf32, #tpu.memory_space<hbm>>) target_semaphore(%run_scoped3A_213 : memref<!tpu.dma_semaphore, #tpu.memory_space<semaphore_mem>>)
      %dma_wait3A_224 = arith.constant 0 : i32
      %dma_wait3A_225 = arith.constant 0 : i32
      %dma_wait3A_226 = tpu.memref_slice %arg12[%dma_wait3A_224, %dma_wait3A_225] : memref<80x128xf32, #tpu.memory_space<vmem>> -> memref<80x128xf32, #tpu.memory_space<vmem>>
      %dma_wait3A_227 = arith.constant 0 : i32
      %dma_wait3A_228 = tpu.memref_slice %arg7[%add3A_187, %dma_wait3A_227] : memref<20000x128xf32, #tpu.memory_space<hbm>> -> memref<80x128xf32, #tpu.memory_space<hbm>>
      %dma_wait3A_229 = arith.constant 0 : i32
      %dma_wait3A_230 = tpu.memref_slice %arg7[%add3A_187, %dma_wait3A_229] : memref<20000x128xf32, #tpu.memory_space<hbm>> -> memref<80x128xf32, #tpu.memory_space<hbm>>
      %dma_wait3A_231 = arith.constant 0 : i32
      %dma_wait3A_232 = arith.constant 0 : i32
      %dma_wait3A_233 = tpu.memref_slice %arg12[%dma_wait3A_231, %dma_wait3A_232] : memref<80x128xf32, #tpu.memory_space<vmem>> -> memref<80x128xf32, #tpu.memory_space<vmem>>
      tpu.wait_dma2 semaphore(%run_scoped3A_213 : memref<!tpu.dma_semaphore, #tpu.memory_space<semaphore_mem>>) src(%dma_wait3A_233 : memref<80x128xf32, #tpu.memory_space<vmem>>) dst(%dma_wait3A_230 : memref<80x128xf32, #tpu.memory_space<hbm>>)
      tpu.yield
    }) : () -> ()
    %add3A_188 = arith.constant 240 : i32
    %add3A_189 = arith.addi %mul3A_6, %add3A_188 : i32
    "tpu.region"() ({
      %run_scoped3A_213 = tpu.sem_alloc : memref<!tpu.dma_semaphore, #tpu.memory_space<semaphore_mem>>
      %dma_start3A_214 = arith.constant 0 : i32
      %dma_start3A_215 = arith.constant 0 : i32
      %dma_start3A_216 = tpu.memref_slice %arg12[%dma_start3A_214, %dma_start3A_215] : memref<80x128xf32, #tpu.memory_space<vmem>> -> memref<80x128xf32, #tpu.memory_space<vmem>>
      %dma_start3A_217 = arith.constant 0 : i32
      %dma_start3A_218 = tpu.memref_slice %arg17[%add3A_189, %dma_start3A_217] : memref<10000x128xf32, #tpu.memory_space<vmem_shared>> -> memref<80x128xf32, #tpu.memory_space<vmem_shared>>
      %dma_start3A_219 = arith.constant 0 : i32
      %dma_start3A_220 = arith.constant 0 : i32
      %dma_start3A_221 = tpu.memref_slice %arg12[%dma_start3A_219, %dma_start3A_220] : memref<80x128xf32, #tpu.memory_space<vmem>> -> memref<80x128xf32, #tpu.memory_space<vmem>>
      %dma_start3A_222 = arith.constant 0 : i32
      %dma_start3A_223 = tpu.memref_slice %arg17[%add3A_189, %dma_start3A_222] : memref<10000x128xf32, #tpu.memory_space<vmem_shared>> -> memref<80x128xf32, #tpu.memory_space<vmem_shared>>
      tpu.enqueue_dma source(%dma_start3A_223 : memref<80x128xf32, #tpu.memory_space<vmem_shared>>) target(%dma_start3A_221 : memref<80x128xf32, #tpu.memory_space<vmem>>) target_semaphore(%run_scoped3A_213 : memref<!tpu.dma_semaphore, #tpu.memory_space<semaphore_mem>>)
      %dma_wait3A_224 = arith.constant 0 : i32
      %dma_wait3A_225 = arith.constant 0 : i32
      %dma_wait3A_226 = tpu.memref_slice %arg12[%dma_wait3A_224, %dma_wait3A_225] : memref<80x128xf32, #tpu.memory_space<vmem>> -> memref<80x128xf32, #tpu.memory_space<vmem>>
      %dma_wait3A_227 = arith.constant 0 : i32
      %dma_wait3A_228 = tpu.memref_slice %arg17[%add3A_189, %dma_wait3A_227] : memref<10000x128xf32, #tpu.memory_space<vmem_shared>> -> memref<80x128xf32, #tpu.memory_space<vmem_shared>>
      %dma_wait3A_229 = arith.constant 0 : i32
      %dma_wait3A_230 = arith.constant 0 : i32
      %dma_wait3A_231 = tpu.memref_slice %arg12[%dma_wait3A_229, %dma_wait3A_230] : memref<80x128xf32, #tpu.memory_space<vmem>> -> memref<80x128xf32, #tpu.memory_space<vmem>>
      %dma_wait3A_232 = arith.constant 0 : i32
      %dma_wait3A_233 = tpu.memref_slice %arg17[%add3A_189, %dma_wait3A_232] : memref<10000x128xf32, #tpu.memory_space<vmem_shared>> -> memref<80x128xf32, #tpu.memory_space<vmem_shared>>
      tpu.wait_dma2 semaphore(%run_scoped3A_213 : memref<!tpu.dma_semaphore, #tpu.memory_space<semaphore_mem>>) src(%dma_wait3A_233 : memref<80x128xf32, #tpu.memory_space<vmem_shared>>) dst(%dma_wait3A_231 : memref<80x128xf32, #tpu.memory_space<vmem>>)
      tpu.yield
    }) : () -> ()
    %add3A_190 = arith.constant 240 : i32
    %add3A_191 = arith.addi %add3A_175, %add3A_190 : i32
    "tpu.region"() ({
      %run_scoped3A_213 = tpu.sem_alloc : memref<!tpu.dma_semaphore, #tpu.memory_space<semaphore_mem>>
      %dma_start3A_214 = arith.constant 0 : i32
      %dma_start3A_215 = arith.constant 0 : i32
      %dma_start3A_216 = tpu.memref_slice %arg12[%dma_start3A_214, %dma_start3A_215] : memref<80x128xf32, #tpu.memory_space<vmem>> -> memref<80x128xf32, #tpu.memory_space<vmem>>
      %dma_start3A_217 = arith.constant 0 : i32
      %dma_start3A_218 = tpu.memref_slice %arg7[%add3A_191, %dma_start3A_217] : memref<20000x128xf32, #tpu.memory_space<hbm>> -> memref<80x128xf32, #tpu.memory_space<hbm>>
      %dma_start3A_219 = arith.constant 0 : i32
      %dma_start3A_220 = tpu.memref_slice %arg7[%add3A_191, %dma_start3A_219] : memref<20000x128xf32, #tpu.memory_space<hbm>> -> memref<80x128xf32, #tpu.memory_space<hbm>>
      %dma_start3A_221 = arith.constant 0 : i32
      %dma_start3A_222 = arith.constant 0 : i32
      %dma_start3A_223 = tpu.memref_slice %arg12[%dma_start3A_221, %dma_start3A_222] : memref<80x128xf32, #tpu.memory_space<vmem>> -> memref<80x128xf32, #tpu.memory_space<vmem>>
      tpu.enqueue_dma source(%dma_start3A_223 : memref<80x128xf32, #tpu.memory_space<vmem>>) target(%dma_start3A_220 : memref<80x128xf32, #tpu.memory_space<hbm>>) target_semaphore(%run_scoped3A_213 : memref<!tpu.dma_semaphore, #tpu.memory_space<semaphore_mem>>)
      %dma_wait3A_224 = arith.constant 0 : i32
      %dma_wait3A_225 = arith.constant 0 : i32
      %dma_wait3A_226 = tpu.memref_slice %arg12[%dma_wait3A_224, %dma_wait3A_225] : memref<80x128xf32, #tpu.memory_space<vmem>> -> memref<80x128xf32, #tpu.memory_space<vmem>>
      %dma_wait3A_227 = arith.constant 0 : i32
      %dma_wait3A_228 = tpu.memref_slice %arg7[%add3A_191, %dma_wait3A_227] : memref<20000x128xf32, #tpu.memory_space<hbm>> -> memref<80x128xf32, #tpu.memory_space<hbm>>
      %dma_wait3A_229 = arith.constant 0 : i32
      %dma_wait3A_230 = tpu.memref_slice %arg7[%add3A_191, %dma_wait3A_229] : memref<20000x128xf32, #tpu.memory_space<hbm>> -> memref<80x128xf32, #tpu.memory_space<hbm>>
      %dma_wait3A_231 = arith.constant 0 : i32
      %dma_wait3A_232 = arith.constant 0 : i32
      %dma_wait3A_233 = tpu.memref_slice %arg12[%dma_wait3A_231, %dma_wait3A_232] : memref<80x128xf32, #tpu.memory_space<vmem>> -> memref<80x128xf32, #tpu.memory_space<vmem>>
      tpu.wait_dma2 semaphore(%run_scoped3A_213 : memref<!tpu.dma_semaphore, #tpu.memory_space<semaphore_mem>>) src(%dma_wait3A_233 : memref<80x128xf32, #tpu.memory_space<vmem>>) dst(%dma_wait3A_230 : memref<80x128xf32, #tpu.memory_space<hbm>>)
      tpu.yield
    }) : () -> ()
    %add3A_192 = arith.constant 320 : i32
    %add3A_193 = arith.addi %mul3A_6, %add3A_192 : i32
    "tpu.region"() ({
      %run_scoped3A_213 = tpu.sem_alloc : memref<!tpu.dma_semaphore, #tpu.memory_space<semaphore_mem>>
      %dma_start3A_214 = arith.constant 0 : i32
      %dma_start3A_215 = arith.constant 0 : i32
      %dma_start3A_216 = tpu.memref_slice %arg12[%dma_start3A_214, %dma_start3A_215] : memref<80x128xf32, #tpu.memory_space<vmem>> -> memref<80x128xf32, #tpu.memory_space<vmem>>
      %dma_start3A_217 = arith.constant 0 : i32
      %dma_start3A_218 = tpu.memref_slice %arg17[%add3A_193, %dma_start3A_217] : memref<10000x128xf32, #tpu.memory_space<vmem_shared>> -> memref<80x128xf32, #tpu.memory_space<vmem_shared>>
      %dma_start3A_219 = arith.constant 0 : i32
      %dma_start3A_220 = arith.constant 0 : i32
      %dma_start3A_221 = tpu.memref_slice %arg12[%dma_start3A_219, %dma_start3A_220] : memref<80x128xf32, #tpu.memory_space<vmem>> -> memref<80x128xf32, #tpu.memory_space<vmem>>
      %dma_start3A_222 = arith.constant 0 : i32
      %dma_start3A_223 = tpu.memref_slice %arg17[%add3A_193, %dma_start3A_222] : memref<10000x128xf32, #tpu.memory_space<vmem_shared>> -> memref<80x128xf32, #tpu.memory_space<vmem_shared>>
      tpu.enqueue_dma source(%dma_start3A_223 : memref<80x128xf32, #tpu.memory_space<vmem_shared>>) target(%dma_start3A_221 : memref<80x128xf32, #tpu.memory_space<vmem>>) target_semaphore(%run_scoped3A_213 : memref<!tpu.dma_semaphore, #tpu.memory_space<semaphore_mem>>)
      %dma_wait3A_224 = arith.constant 0 : i32
      %dma_wait3A_225 = arith.constant 0 : i32
      %dma_wait3A_226 = tpu.memref_slice %arg12[%dma_wait3A_224, %dma_wait3A_225] : memref<80x128xf32, #tpu.memory_space<vmem>> -> memref<80x128xf32, #tpu.memory_space<vmem>>
      %dma_wait3A_227 = arith.constant 0 : i32
      %dma_wait3A_228 = tpu.memref_slice %arg17[%add3A_193, %dma_wait3A_227] : memref<10000x128xf32, #tpu.memory_space<vmem_shared>> -> memref<80x128xf32, #tpu.memory_space<vmem_shared>>
      %dma_wait3A_229 = arith.constant 0 : i32
      %dma_wait3A_230 = arith.constant 0 : i32
      %dma_wait3A_231 = tpu.memref_slice %arg12[%dma_wait3A_229, %dma_wait3A_230] : memref<80x128xf32, #tpu.memory_space<vmem>> -> memref<80x128xf32, #tpu.memory_space<vmem>>
      %dma_wait3A_232 = arith.constant 0 : i32
      %dma_wait3A_233 = tpu.memref_slice %arg17[%add3A_193, %dma_wait3A_232] : memref<10000x128xf32, #tpu.memory_space<vmem_shared>> -> memref<80x128xf32, #tpu.memory_space<vmem_shared>>
      tpu.wait_dma2 semaphore(%run_scoped3A_213 : memref<!tpu.dma_semaphore, #tpu.memory_space<semaphore_mem>>) src(%dma_wait3A_233 : memref<80x128xf32, #tpu.memory_space<vmem_shared>>) dst(%dma_wait3A_231 : memref<80x128xf32, #tpu.memory_space<vmem>>)
      tpu.yield
    }) : () -> ()
    %add3A_194 = arith.constant 320 : i32
    %add3A_195 = arith.addi %add3A_175, %add3A_194 : i32
    "tpu.region"() ({
      %run_scoped3A_213 = tpu.sem_alloc : memref<!tpu.dma_semaphore, #tpu.memory_space<semaphore_mem>>
      %dma_start3A_214 = arith.constant 0 : i32
      %dma_start3A_215 = arith.constant 0 : i32
      %dma_start3A_216 = tpu.memref_slice %arg12[%dma_start3A_214, %dma_start3A_215] : memref<80x128xf32, #tpu.memory_space<vmem>> -> memref<80x128xf32, #tpu.memory_space<vmem>>
      %dma_start3A_217 = arith.constant 0 : i32
      %dma_start3A_218 = tpu.memref_slice %arg7[%add3A_195, %dma_start3A_217] : memref<20000x128xf32, #tpu.memory_space<hbm>> -> memref<80x128xf32, #tpu.memory_space<hbm>>
      %dma_start3A_219 = arith.constant 0 : i32
      %dma_start3A_220 = tpu.memref_slice %arg7[%add3A_195, %dma_start3A_219] : memref<20000x128xf32, #tpu.memory_space<hbm>> -> memref<80x128xf32, #tpu.memory_space<hbm>>
      %dma_start3A_221 = arith.constant 0 : i32
      %dma_start3A_222 = arith.constant 0 : i32
      %dma_start3A_223 = tpu.memref_slice %arg12[%dma_start3A_221, %dma_start3A_222] : memref<80x128xf32, #tpu.memory_space<vmem>> -> memref<80x128xf32, #tpu.memory_space<vmem>>
      tpu.enqueue_dma source(%dma_start3A_223 : memref<80x128xf32, #tpu.memory_space<vmem>>) target(%dma_start3A_220 : memref<80x128xf32, #tpu.memory_space<hbm>>) target_semaphore(%run_scoped3A_213 : memref<!tpu.dma_semaphore, #tpu.memory_space<semaphore_mem>>)
      %dma_wait3A_224 = arith.constant 0 : i32
      %dma_wait3A_225 = arith.constant 0 : i32
      %dma_wait3A_226 = tpu.memref_slice %arg12[%dma_wait3A_224, %dma_wait3A_225] : memref<80x128xf32, #tpu.memory_space<vmem>> -> memref<80x128xf32, #tpu.memory_space<vmem>>
      %dma_wait3A_227 = arith.constant 0 : i32
      %dma_wait3A_228 = tpu.memref_slice %arg7[%add3A_195, %dma_wait3A_227] : memref<20000x128xf32, #tpu.memory_space<hbm>> -> memref<80x128xf32, #tpu.memory_space<hbm>>
      %dma_wait3A_229 = arith.constant 0 : i32
      %dma_wait3A_230 = tpu.memref_slice %arg7[%add3A_195, %dma_wait3A_229] : memref<20000x128xf32, #tpu.memory_space<hbm>> -> memref<80x128xf32, #tpu.memory_space<hbm>>
      %dma_wait3A_231 = arith.constant 0 : i32
      %dma_wait3A_232 = arith.constant 0 : i32
      %dma_wait3A_233 = tpu.memref_slice %arg12[%dma_wait3A_231, %dma_wait3A_232] : memref<80x128xf32, #tpu.memory_space<vmem>> -> memref<80x128xf32, #tpu.memory_space<vmem>>
      tpu.wait_dma2 semaphore(%run_scoped3A_213 : memref<!tpu.dma_semaphore, #tpu.memory_space<semaphore_mem>>) src(%dma_wait3A_233 : memref<80x128xf32, #tpu.memory_space<vmem>>) dst(%dma_wait3A_230 : memref<80x128xf32, #tpu.memory_space<hbm>>)
      tpu.yield
    }) : () -> ()
    %add3A_196 = arith.constant 400 : i32
    %add3A_197 = arith.addi %mul3A_6, %add3A_196 : i32
    "tpu.region"() ({
      %run_scoped3A_213 = tpu.sem_alloc : memref<!tpu.dma_semaphore, #tpu.memory_space<semaphore_mem>>
      %dma_start3A_214 = arith.constant 0 : i32
      %dma_start3A_215 = arith.constant 0 : i32
      %dma_start3A_216 = tpu.memref_slice %arg12[%dma_start3A_214, %dma_start3A_215] : memref<80x128xf32, #tpu.memory_space<vmem>> -> memref<80x128xf32, #tpu.memory_space<vmem>>
      %dma_start3A_217 = arith.constant 0 : i32
      %dma_start3A_218 = tpu.memref_slice %arg17[%add3A_197, %dma_start3A_217] : memref<10000x128xf32, #tpu.memory_space<vmem_shared>> -> memref<80x128xf32, #tpu.memory_space<vmem_shared>>
      %dma_start3A_219 = arith.constant 0 : i32
      %dma_start3A_220 = arith.constant 0 : i32
      %dma_start3A_221 = tpu.memref_slice %arg12[%dma_start3A_219, %dma_start3A_220] : memref<80x128xf32, #tpu.memory_space<vmem>> -> memref<80x128xf32, #tpu.memory_space<vmem>>
      %dma_start3A_222 = arith.constant 0 : i32
      %dma_start3A_223 = tpu.memref_slice %arg17[%add3A_197, %dma_start3A_222] : memref<10000x128xf32, #tpu.memory_space<vmem_shared>> -> memref<80x128xf32, #tpu.memory_space<vmem_shared>>
      tpu.enqueue_dma source(%dma_start3A_223 : memref<80x128xf32, #tpu.memory_space<vmem_shared>>) target(%dma_start3A_221 : memref<80x128xf32, #tpu.memory_space<vmem>>) target_semaphore(%run_scoped3A_213 : memref<!tpu.dma_semaphore, #tpu.memory_space<semaphore_mem>>)
      %dma_wait3A_224 = arith.constant 0 : i32
      %dma_wait3A_225 = arith.constant 0 : i32
      %dma_wait3A_226 = tpu.memref_slice %arg12[%dma_wait3A_224, %dma_wait3A_225] : memref<80x128xf32, #tpu.memory_space<vmem>> -> memref<80x128xf32, #tpu.memory_space<vmem>>
      %dma_wait3A_227 = arith.constant 0 : i32
      %dma_wait3A_228 = tpu.memref_slice %arg17[%add3A_197, %dma_wait3A_227] : memref<10000x128xf32, #tpu.memory_space<vmem_shared>> -> memref<80x128xf32, #tpu.memory_space<vmem_shared>>
      %dma_wait3A_229 = arith.constant 0 : i32
      %dma_wait3A_230 = arith.constant 0 : i32
      %dma_wait3A_231 = tpu.memref_slice %arg12[%dma_wait3A_229, %dma_wait3A_230] : memref<80x128xf32, #tpu.memory_space<vmem>> -> memref<80x128xf32, #tpu.memory_space<vmem>>
      %dma_wait3A_232 = arith.constant 0 : i32
      %dma_wait3A_233 = tpu.memref_slice %arg17[%add3A_197, %dma_wait3A_232] : memref<10000x128xf32, #tpu.memory_space<vmem_shared>> -> memref<80x128xf32, #tpu.memory_space<vmem_shared>>
      tpu.wait_dma2 semaphore(%run_scoped3A_213 : memref<!tpu.dma_semaphore, #tpu.memory_space<semaphore_mem>>) src(%dma_wait3A_233 : memref<80x128xf32, #tpu.memory_space<vmem_shared>>) dst(%dma_wait3A_231 : memref<80x128xf32, #tpu.memory_space<vmem>>)
      tpu.yield
    }) : () -> ()
    %add3A_198 = arith.constant 400 : i32
    %add3A_199 = arith.addi %add3A_175, %add3A_198 : i32
    "tpu.region"() ({
      %run_scoped3A_213 = tpu.sem_alloc : memref<!tpu.dma_semaphore, #tpu.memory_space<semaphore_mem>>
      %dma_start3A_214 = arith.constant 0 : i32
      %dma_start3A_215 = arith.constant 0 : i32
      %dma_start3A_216 = tpu.memref_slice %arg12[%dma_start3A_214, %dma_start3A_215] : memref<80x128xf32, #tpu.memory_space<vmem>> -> memref<80x128xf32, #tpu.memory_space<vmem>>
      %dma_start3A_217 = arith.constant 0 : i32
      %dma_start3A_218 = tpu.memref_slice %arg7[%add3A_199, %dma_start3A_217] : memref<20000x128xf32, #tpu.memory_space<hbm>> -> memref<80x128xf32, #tpu.memory_space<hbm>>
      %dma_start3A_219 = arith.constant 0 : i32
      %dma_start3A_220 = tpu.memref_slice %arg7[%add3A_199, %dma_start3A_219] : memref<20000x128xf32, #tpu.memory_space<hbm>> -> memref<80x128xf32, #tpu.memory_space<hbm>>
      %dma_start3A_221 = arith.constant 0 : i32
      %dma_start3A_222 = arith.constant 0 : i32
      %dma_start3A_223 = tpu.memref_slice %arg12[%dma_start3A_221, %dma_start3A_222] : memref<80x128xf32, #tpu.memory_space<vmem>> -> memref<80x128xf32, #tpu.memory_space<vmem>>
      tpu.enqueue_dma source(%dma_start3A_223 : memref<80x128xf32, #tpu.memory_space<vmem>>) target(%dma_start3A_220 : memref<80x128xf32, #tpu.memory_space<hbm>>) target_semaphore(%run_scoped3A_213 : memref<!tpu.dma_semaphore, #tpu.memory_space<semaphore_mem>>)
      %dma_wait3A_224 = arith.constant 0 : i32
      %dma_wait3A_225 = arith.constant 0 : i32
      %dma_wait3A_226 = tpu.memref_slice %arg12[%dma_wait3A_224, %dma_wait3A_225] : memref<80x128xf32, #tpu.memory_space<vmem>> -> memref<80x128xf32, #tpu.memory_space<vmem>>
      %dma_wait3A_227 = arith.constant 0 : i32
      %dma_wait3A_228 = tpu.memref_slice %arg7[%add3A_199, %dma_wait3A_227] : memref<20000x128xf32, #tpu.memory_space<hbm>> -> memref<80x128xf32, #tpu.memory_space<hbm>>
      %dma_wait3A_229 = arith.constant 0 : i32
      %dma_wait3A_230 = tpu.memref_slice %arg7[%add3A_199, %dma_wait3A_229] : memref<20000x128xf32, #tpu.memory_space<hbm>> -> memref<80x128xf32, #tpu.memory_space<hbm>>
      %dma_wait3A_231 = arith.constant 0 : i32
      %dma_wait3A_232 = arith.constant 0 : i32
      %dma_wait3A_233 = tpu.memref_slice %arg12[%dma_wait3A_231, %dma_wait3A_232] : memref<80x128xf32, #tpu.memory_space<vmem>> -> memref<80x128xf32, #tpu.memory_space<vmem>>
      tpu.wait_dma2 semaphore(%run_scoped3A_213 : memref<!tpu.dma_semaphore, #tpu.memory_space<semaphore_mem>>) src(%dma_wait3A_233 : memref<80x128xf32, #tpu.memory_space<vmem>>) dst(%dma_wait3A_230 : memref<80x128xf32, #tpu.memory_space<hbm>>)
      tpu.yield
    }) : () -> ()
    %add3A_200 = arith.constant 480 : i32
    %add3A_201 = arith.addi %mul3A_6, %add3A_200 : i32
    "tpu.region"() ({
      %run_scoped3A_213 = tpu.sem_alloc : memref<!tpu.dma_semaphore, #tpu.memory_space<semaphore_mem>>
      %dma_start3A_214 = arith.constant 0 : i32
      %dma_start3A_215 = arith.constant 0 : i32
      %dma_start3A_216 = tpu.memref_slice %arg12[%dma_start3A_214, %dma_start3A_215] : memref<80x128xf32, #tpu.memory_space<vmem>> -> memref<80x128xf32, #tpu.memory_space<vmem>>
      %dma_start3A_217 = arith.constant 0 : i32
      %dma_start3A_218 = tpu.memref_slice %arg17[%add3A_201, %dma_start3A_217] : memref<10000x128xf32, #tpu.memory_space<vmem_shared>> -> memref<80x128xf32, #tpu.memory_space<vmem_shared>>
      %dma_start3A_219 = arith.constant 0 : i32
      %dma_start3A_220 = arith.constant 0 : i32
      %dma_start3A_221 = tpu.memref_slice %arg12[%dma_start3A_219, %dma_start3A_220] : memref<80x128xf32, #tpu.memory_space<vmem>> -> memref<80x128xf32, #tpu.memory_space<vmem>>
      %dma_start3A_222 = arith.constant 0 : i32
      %dma_start3A_223 = tpu.memref_slice %arg17[%add3A_201, %dma_start3A_222] : memref<10000x128xf32, #tpu.memory_space<vmem_shared>> -> memref<80x128xf32, #tpu.memory_space<vmem_shared>>
      tpu.enqueue_dma source(%dma_start3A_223 : memref<80x128xf32, #tpu.memory_space<vmem_shared>>) target(%dma_start3A_221 : memref<80x128xf32, #tpu.memory_space<vmem>>) target_semaphore(%run_scoped3A_213 : memref<!tpu.dma_semaphore, #tpu.memory_space<semaphore_mem>>)
      %dma_wait3A_224 = arith.constant 0 : i32
      %dma_wait3A_225 = arith.constant 0 : i32
      %dma_wait3A_226 = tpu.memref_slice %arg12[%dma_wait3A_224, %dma_wait3A_225] : memref<80x128xf32, #tpu.memory_space<vmem>> -> memref<80x128xf32, #tpu.memory_space<vmem>>
      %dma_wait3A_227 = arith.constant 0 : i32
      %dma_wait3A_228 = tpu.memref_slice %arg17[%add3A_201, %dma_wait3A_227] : memref<10000x128xf32, #tpu.memory_space<vmem_shared>> -> memref<80x128xf32, #tpu.memory_space<vmem_shared>>
      %dma_wait3A_229 = arith.constant 0 : i32
      %dma_wait3A_230 = arith.constant 0 : i32
      %dma_wait3A_231 = tpu.memref_slice %arg12[%dma_wait3A_229, %dma_wait3A_230] : memref<80x128xf32, #tpu.memory_space<vmem>> -> memref<80x128xf32, #tpu.memory_space<vmem>>
      %dma_wait3A_232 = arith.constant 0 : i32
      %dma_wait3A_233 = tpu.memref_slice %arg17[%add3A_201, %dma_wait3A_232] : memref<10000x128xf32, #tpu.memory_space<vmem_shared>> -> memref<80x128xf32, #tpu.memory_space<vmem_shared>>
      tpu.wait_dma2 semaphore(%run_scoped3A_213 : memref<!tpu.dma_semaphore, #tpu.memory_space<semaphore_mem>>) src(%dma_wait3A_233 : memref<80x128xf32, #tpu.memory_space<vmem_shared>>) dst(%dma_wait3A_231 : memref<80x128xf32, #tpu.memory_space<vmem>>)
      tpu.yield
    }) : () -> ()
    %add3A_202 = arith.constant 480 : i32
    %add3A_203 = arith.addi %add3A_175, %add3A_202 : i32
    "tpu.region"() ({
      %run_scoped3A_213 = tpu.sem_alloc : memref<!tpu.dma_semaphore, #tpu.memory_space<semaphore_mem>>
      %dma_start3A_214 = arith.constant 0 : i32
      %dma_start3A_215 = arith.constant 0 : i32
      %dma_start3A_216 = tpu.memref_slice %arg12[%dma_start3A_214, %dma_start3A_215] : memref<80x128xf32, #tpu.memory_space<vmem>> -> memref<80x128xf32, #tpu.memory_space<vmem>>
      %dma_start3A_217 = arith.constant 0 : i32
      %dma_start3A_218 = tpu.memref_slice %arg7[%add3A_203, %dma_start3A_217] : memref<20000x128xf32, #tpu.memory_space<hbm>> -> memref<80x128xf32, #tpu.memory_space<hbm>>
      %dma_start3A_219 = arith.constant 0 : i32
      %dma_start3A_220 = tpu.memref_slice %arg7[%add3A_203, %dma_start3A_219] : memref<20000x128xf32, #tpu.memory_space<hbm>> -> memref<80x128xf32, #tpu.memory_space<hbm>>
      %dma_start3A_221 = arith.constant 0 : i32
      %dma_start3A_222 = arith.constant 0 : i32
      %dma_start3A_223 = tpu.memref_slice %arg12[%dma_start3A_221, %dma_start3A_222] : memref<80x128xf32, #tpu.memory_space<vmem>> -> memref<80x128xf32, #tpu.memory_space<vmem>>
      tpu.enqueue_dma source(%dma_start3A_223 : memref<80x128xf32, #tpu.memory_space<vmem>>) target(%dma_start3A_220 : memref<80x128xf32, #tpu.memory_space<hbm>>) target_semaphore(%run_scoped3A_213 : memref<!tpu.dma_semaphore, #tpu.memory_space<semaphore_mem>>)
      %dma_wait3A_224 = arith.constant 0 : i32
      %dma_wait3A_225 = arith.constant 0 : i32
      %dma_wait3A_226 = tpu.memref_slice %arg12[%dma_wait3A_224, %dma_wait3A_225] : memref<80x128xf32, #tpu.memory_space<vmem>> -> memref<80x128xf32, #tpu.memory_space<vmem>>
      %dma_wait3A_227 = arith.constant 0 : i32
      %dma_wait3A_228 = tpu.memref_slice %arg7[%add3A_203, %dma_wait3A_227] : memref<20000x128xf32, #tpu.memory_space<hbm>> -> memref<80x128xf32, #tpu.memory_space<hbm>>
      %dma_wait3A_229 = arith.constant 0 : i32
      %dma_wait3A_230 = tpu.memref_slice %arg7[%add3A_203, %dma_wait3A_229] : memref<20000x128xf32, #tpu.memory_space<hbm>> -> memref<80x128xf32, #tpu.memory_space<hbm>>
      %dma_wait3A_231 = arith.constant 0 : i32
      %dma_wait3A_232 = arith.constant 0 : i32
      %dma_wait3A_233 = tpu.memref_slice %arg12[%dma_wait3A_231, %dma_wait3A_232] : memref<80x128xf32, #tpu.memory_space<vmem>> -> memref<80x128xf32, #tpu.memory_space<vmem>>
      tpu.wait_dma2 semaphore(%run_scoped3A_213 : memref<!tpu.dma_semaphore, #tpu.memory_space<semaphore_mem>>) src(%dma_wait3A_233 : memref<80x128xf32, #tpu.memory_space<vmem>>) dst(%dma_wait3A_230 : memref<80x128xf32, #tpu.memory_space<hbm>>)
      tpu.yield
    }) : () -> ()
    %add3A_204 = arith.constant 560 : i32
    %add3A_205 = arith.addi %mul3A_6, %add3A_204 : i32
    "tpu.region"() ({
      %run_scoped3A_213 = tpu.sem_alloc : memref<!tpu.dma_semaphore, #tpu.memory_space<semaphore_mem>>
      %dma_start3A_214 = arith.constant 0 : i32
      %dma_start3A_215 = arith.constant 0 : i32
      %dma_start3A_216 = tpu.memref_slice %arg12[%dma_start3A_214, %dma_start3A_215] : memref<80x128xf32, #tpu.memory_space<vmem>> -> memref<65x128xf32, #tpu.memory_space<vmem>>
      %dma_start3A_217 = arith.constant 0 : i32
      %dma_start3A_218 = tpu.memref_slice %arg17[%add3A_205, %dma_start3A_217] : memref<10000x128xf32, #tpu.memory_space<vmem_shared>> -> memref<65x128xf32, #tpu.memory_space<vmem_shared>>
      %dma_start3A_219 = arith.constant 0 : i32
      %dma_start3A_220 = arith.constant 0 : i32
      %dma_start3A_221 = tpu.memref_slice %arg12[%dma_start3A_219, %dma_start3A_220] : memref<80x128xf32, #tpu.memory_space<vmem>> -> memref<65x128xf32, #tpu.memory_space<vmem>>
      %dma_start3A_222 = arith.constant 0 : i32
      %dma_start3A_223 = tpu.memref_slice %arg17[%add3A_205, %dma_start3A_222] : memref<10000x128xf32, #tpu.memory_space<vmem_shared>> -> memref<65x128xf32, #tpu.memory_space<vmem_shared>>
      tpu.enqueue_dma source(%dma_start3A_223 : memref<65x128xf32, #tpu.memory_space<vmem_shared>>) target(%dma_start3A_221 : memref<65x128xf32, #tpu.memory_space<vmem>>) target_semaphore(%run_scoped3A_213 : memref<!tpu.dma_semaphore, #tpu.memory_space<semaphore_mem>>)
      %dma_wait3A_224 = arith.constant 0 : i32
      %dma_wait3A_225 = arith.constant 0 : i32
      %dma_wait3A_226 = tpu.memref_slice %arg12[%dma_wait3A_224, %dma_wait3A_225] : memref<80x128xf32, #tpu.memory_space<vmem>> -> memref<65x128xf32, #tpu.memory_space<vmem>>
      %dma_wait3A_227 = arith.constant 0 : i32
      %dma_wait3A_228 = tpu.memref_slice %arg17[%add3A_205, %dma_wait3A_227] : memref<10000x128xf32, #tpu.memory_space<vmem_shared>> -> memref<65x128xf32, #tpu.memory_space<vmem_shared>>
      %dma_wait3A_229 = arith.constant 0 : i32
      %dma_wait3A_230 = arith.constant 0 : i32
      %dma_wait3A_231 = tpu.memref_slice %arg12[%dma_wait3A_229, %dma_wait3A_230] : memref<80x128xf32, #tpu.memory_space<vmem>> -> memref<65x128xf32, #tpu.memory_space<vmem>>
      %dma_wait3A_232 = arith.constant 0 : i32
      %dma_wait3A_233 = tpu.memref_slice %arg17[%add3A_205, %dma_wait3A_232] : memref<10000x128xf32, #tpu.memory_space<vmem_shared>> -> memref<65x128xf32, #tpu.memory_space<vmem_shared>>
      tpu.wait_dma2 semaphore(%run_scoped3A_213 : memref<!tpu.dma_semaphore, #tpu.memory_space<semaphore_mem>>) src(%dma_wait3A_233 : memref<65x128xf32, #tpu.memory_space<vmem_shared>>) dst(%dma_wait3A_231 : memref<65x128xf32, #tpu.memory_space<vmem>>)
      tpu.yield
    }) : () -> ()
    %add3A_206 = arith.constant 560 : i32
    %add3A_207 = arith.addi %add3A_175, %add3A_206 : i32
    "tpu.region"() ({
      %run_scoped3A_213 = tpu.sem_alloc : memref<!tpu.dma_semaphore, #tpu.memory_space<semaphore_mem>>
      %dma_start3A_214 = arith.constant 0 : i32
      %dma_start3A_215 = arith.constant 0 : i32
      %dma_start3A_216 = tpu.memref_slice %arg12[%dma_start3A_214, %dma_start3A_215] : memref<80x128xf32, #tpu.memory_space<vmem>> -> memref<65x128xf32, #tpu.memory_space<vmem>>
      %dma_start3A_217 = arith.constant 0 : i32
      %dma_start3A_218 = tpu.memref_slice %arg7[%add3A_207, %dma_start3A_217] : memref<20000x128xf32, #tpu.memory_space<hbm>> -> memref<65x128xf32, #tpu.memory_space<hbm>>
      %dma_start3A_219 = arith.constant 0 : i32
      %dma_start3A_220 = tpu.memref_slice %arg7[%add3A_207, %dma_start3A_219] : memref<20000x128xf32, #tpu.memory_space<hbm>> -> memref<65x128xf32, #tpu.memory_space<hbm>>
      %dma_start3A_221 = arith.constant 0 : i32
      %dma_start3A_222 = arith.constant 0 : i32
      %dma_start3A_223 = tpu.memref_slice %arg12[%dma_start3A_221, %dma_start3A_222] : memref<80x128xf32, #tpu.memory_space<vmem>> -> memref<65x128xf32, #tpu.memory_space<vmem>>
      tpu.enqueue_dma source(%dma_start3A_223 : memref<65x128xf32, #tpu.memory_space<vmem>>) target(%dma_start3A_220 : memref<65x128xf32, #tpu.memory_space<hbm>>) target_semaphore(%run_scoped3A_213 : memref<!tpu.dma_semaphore, #tpu.memory_space<semaphore_mem>>)
      %dma_wait3A_224 = arith.constant 0 : i32
      %dma_wait3A_225 = arith.constant 0 : i32
      %dma_wait3A_226 = tpu.memref_slice %arg12[%dma_wait3A_224, %dma_wait3A_225] : memref<80x128xf32, #tpu.memory_space<vmem>> -> memref<65x128xf32, #tpu.memory_space<vmem>>
      %dma_wait3A_227 = arith.constant 0 : i32
      %dma_wait3A_228 = tpu.memref_slice %arg7[%add3A_207, %dma_wait3A_227] : memref<20000x128xf32, #tpu.memory_space<hbm>> -> memref<65x128xf32, #tpu.memory_space<hbm>>
      %dma_wait3A_229 = arith.constant 0 : i32
      %dma_wait3A_230 = tpu.memref_slice %arg7[%add3A_207, %dma_wait3A_229] : memref<20000x128xf32, #tpu.memory_space<hbm>> -> memref<65x128xf32, #tpu.memory_space<hbm>>
      %dma_wait3A_231 = arith.constant 0 : i32
      %dma_wait3A_232 = arith.constant 0 : i32
      %dma_wait3A_233 = tpu.memref_slice %arg12[%dma_wait3A_231, %dma_wait3A_232] : memref<80x128xf32, #tpu.memory_space<vmem>> -> memref<65x128xf32, #tpu.memory_space<vmem>>
      tpu.wait_dma2 semaphore(%run_scoped3A_213 : memref<!tpu.dma_semaphore, #tpu.memory_space<semaphore_mem>>) src(%dma_wait3A_233 : memref<65x128xf32, #tpu.memory_space<vmem>>) dst(%dma_wait3A_230 : memref<65x128xf32, #tpu.memory_space<hbm>>)
      tpu.yield
    }) : () -> ()
    %eq3A_208 = arith.constant 0 : i32
    %eq3A_209 = arith.cmpi eq, %arg1, %eq3A_208 : i32
    %convert_element_type3A_210 = arith.extui %eq3A_209 : i1 to i32
    %cond3A_211 = arith.constant 0 : i32
    %cond3A_212 = arith.cmpi ne, %convert_element_type3A_210, %cond3A_211 : i32
    scf.if %cond3A_212 {
      "tpu.region"() ({
        %run_scoped3A_215 = tpu.sem_alloc : memref<!tpu.dma_semaphore, #tpu.memory_space<semaphore_mem>>
        tpu.enqueue_dma source(%arg18 : memref<625x16xf32, #tpu.memory_space<vmem_shared>>) target(%arg15 : memref<625x16xf32, #tpu.memory_space<vmem>>) target_semaphore(%run_scoped3A_215 : memref<!tpu.dma_semaphore, #tpu.memory_space<semaphore_mem>>)
        tpu.wait_dma2 semaphore(%run_scoped3A_215 : memref<!tpu.dma_semaphore, #tpu.memory_space<semaphore_mem>>) src(%arg18 : memref<625x16xf32, #tpu.memory_space<vmem_shared>>) dst(%arg15 : memref<625x16xf32, #tpu.memory_space<vmem>>)
        tpu.yield
      }) : () -> ()
      %mul3A_213 = arith.constant 625 : i32
      %mul3A_214 = arith.muli %arg0, %mul3A_213 : i32
      "tpu.region"() ({
        %run_scoped3A_215 = tpu.sem_alloc : memref<!tpu.dma_semaphore, #tpu.memory_space<semaphore_mem>>
        %dma_start3A_216 = arith.constant 0 : i32
        %dma_start3A_217 = tpu.memref_slice %arg8[%mul3A_214, %dma_start3A_216] : memref<1250x16xf32, #tpu.memory_space<hbm>> -> memref<625x16xf32, #tpu.memory_space<hbm>>
        %dma_start3A_218 = arith.constant 0 : i32
        %dma_start3A_219 = tpu.memref_slice %arg8[%mul3A_214, %dma_start3A_218] : memref<1250x16xf32, #tpu.memory_space<hbm>> -> memref<625x16xf32, #tpu.memory_space<hbm>>
        tpu.enqueue_dma source(%arg15 : memref<625x16xf32, #tpu.memory_space<vmem>>) target(%dma_start3A_219 : memref<625x16xf32, #tpu.memory_space<hbm>>) target_semaphore(%run_scoped3A_215 : memref<!tpu.dma_semaphore, #tpu.memory_space<semaphore_mem>>)
        %dma_wait3A_220 = arith.constant 0 : i32
        %dma_wait3A_221 = tpu.memref_slice %arg8[%mul3A_214, %dma_wait3A_220] : memref<1250x16xf32, #tpu.memory_space<hbm>> -> memref<625x16xf32, #tpu.memory_space<hbm>>
        %dma_wait3A_222 = arith.constant 0 : i32
        %dma_wait3A_223 = tpu.memref_slice %arg8[%mul3A_214, %dma_wait3A_222] : memref<1250x16xf32, #tpu.memory_space<hbm>> -> memref<625x16xf32, #tpu.memory_space<hbm>>
        tpu.wait_dma2 semaphore(%run_scoped3A_215 : memref<!tpu.dma_semaphore, #tpu.memory_space<semaphore_mem>>) src(%arg15 : memref<625x16xf32, #tpu.memory_space<vmem>>) dst(%dma_wait3A_223 : memref<625x16xf32, #tpu.memory_space<hbm>>)
        tpu.yield
      }) : () -> ()
    } else {
    }
    return
  }
}

module attributes {stable_mosaic.version = 14 : i64} {
  func.func @_fin_body(%arg0: i32, %arg1: memref<2x2000x128xf32, #tpu.memory_space<vmem>>, %arg2: memref<2x1x125x16xf32, #tpu.memory_space<vmem>>, %arg3: memref<2000x128xf32, #tpu.memory_space<vmem>>) attributes {dimension_semantics = [#tpu.dimension_semantics<arbitrary>], iteration_bounds = array<i64: 5>, scalar_prefetch = 0 : i64, scratch_operands = 0 : i64, tpu.core_type = #tpu.core_type<tc>, window_params = [{transform_indices = @transform_0, window_bounds = array<i64: 2, 2000, 128>}, {transform_indices = @transform_1, window_bounds = array<i64: 2, 1, 125, 16>}, {transform_indices = @transform_2, window_bounds = array<i64: 2000, 128>}]} {
    %get3A = arith.constant 0 : index
    %get3A_0 = arith.constant 0 : index
    %get3A_1 = arith.constant 0 : index
    %get3A_2 = vector.load %arg1[%get3A, %get3A_0, %get3A_1] : memref<2x2000x128xf32, #tpu.memory_space<vmem>>, vector<1x2000x128xf32>
    %get3A_3 = vector.shape_cast %get3A_2 : vector<1x2000x128xf32> to vector<2000x128xf32>
    %get3A_4 = arith.constant 1 : index
    %get3A_5 = arith.constant 0 : index
    %get3A_6 = arith.constant 0 : index
    %get3A_7 = vector.load %arg1[%get3A_4, %get3A_5, %get3A_6] : memref<2x2000x128xf32, #tpu.memory_space<vmem>>, vector<1x2000x128xf32>
    %get3A_8 = vector.shape_cast %get3A_7 : vector<1x2000x128xf32> to vector<2000x128xf32>
    %add3A = arith.addf %get3A_3, %get3A_8 : vector<2000x128xf32>
    %get3A_9 = arith.constant 0 : index
    %get3A_10 = arith.constant 0 : index
    %get3A_11 = arith.constant 0 : index
    %get3A_12 = arith.constant 0 : index
    %get3A_13 = vector.load %arg2[%get3A_9, %get3A_10, %get3A_11, %get3A_12] : memref<2x1x125x16xf32, #tpu.memory_space<vmem>>, vector<1x1x125x16xf32>
    %get3A_14 = vector.shape_cast %get3A_13 : vector<1x1x125x16xf32> to vector<125x16xf32>
    %get3A_15 = arith.constant 1 : index
    %get3A_16 = arith.constant 0 : index
    %get3A_17 = arith.constant 0 : index
    %get3A_18 = arith.constant 0 : index
    %get3A_19 = vector.load %arg2[%get3A_15, %get3A_16, %get3A_17, %get3A_18] : memref<2x1x125x16xf32, #tpu.memory_space<vmem>>, vector<1x1x125x16xf32>
    %get3A_20 = vector.shape_cast %get3A_19 : vector<1x1x125x16xf32> to vector<125x16xf32>
    %add3A_21 = arith.addf %get3A_14, %get3A_20 : vector<125x16xf32>
    %broadcast_in_dim3A = vector.shape_cast %add3A_21 : vector<125x16xf32> to vector<125x16x1xf32>
    %broadcast_in_dim3A_22 = vector.shape_cast %broadcast_in_dim3A : vector<125x16x1xf32> to vector<125x16x1xf32>
    %broadcast_in_dim3A_23 = vector.broadcast %broadcast_in_dim3A_22 : vector<125x16x1xf32> to vector<125x16x128xf32>
    %reshape3A = vector.shape_cast %broadcast_in_dim3A_23 : vector<125x16x128xf32> to vector<2000x128xf32>
    %max3A = arith.constant 1.000000e+00 : f32
    %max3A_24 = vector.broadcast %max3A : f32 to vector<2000x128xf32>
    %max3A_25 = arith.maximumf %reshape3A, %max3A_24 : vector<2000x128xf32>
    %div3A = arith.divf %add3A, %max3A_25 : vector<2000x128xf32>
    %swap3A = arith.constant 0 : index
    %swap3A_26 = arith.constant 0 : index
    %swap3A_27 = vector.load %arg3[%swap3A, %swap3A_26] : memref<2000x128xf32, #tpu.memory_space<vmem>>, vector<2000x128xf32>
    tpu.vector_store %arg3[%swap3A, %swap3A_26], %div3A {strides = array<i32>} : memref<2000x128xf32, #tpu.memory_space<vmem>>, vector<2000x128xf32>,
    return
  }
  func.func @transform_0(%arg0: i32) -> (i32, i32, i32) {
    %c0_i32 = arith.constant 0 : i32
    %c0_i32_0 = arith.constant 0 : i32
    %c0_i32_1 = arith.constant 0 : i32
    return %c0_i32, %arg0, %c0_i32_0 : i32, i32, i32
  }
  func.func @transform_1(%arg0: i32) -> (i32, i32, i32, i32) {
    %c0_i32 = arith.constant 0 : i32
    %c0_i32_0 = arith.constant 0 : i32
    %c0_i32_1 = arith.constant 0 : i32
    %c0_i32_2 = arith.constant 0 : i32
    return %c0_i32, %arg0, %c0_i32_0, %c0_i32_1 : i32, i32, i32, i32
  }
  func.func @transform_2(%arg0: i32) -> (i32, i32) {
    %c0_i32 = arith.constant 0 : i32
    %c0_i32_0 = arith.constant 0 : i32
    return %arg0, %c0_i32 : i32, i32
  }
}

</mosaic_0001>

<sc_bundles>
// kernel: kernel.4.cloned.1.call-start
scs
__scs_entry_jumppad:
0x0: {  	(pc) =	sbr.rel $0x88, $3  }
0x1: {  	(tag) =	ssettag $0x0;
	lr =	simm.s32 $0x1  }
0x2: {  	[smem:$0x3F9F] =	sst lr;
	_ =	strace $0xD0000000  }
0x3: {  	_ = 	snop  }
0x4: {  	_ = 	snop  }
0x5: {  	_ = 	snop  }
0x6: {  	_ = 	snop  }
0x7: {  	_ = 	snop  }
__scs_overlays_trampoline_lowered:
0x8: {  	[smem:$0x3FAE] =	sst s0  }
0x9: {  	[smem:$0x3FAF] =	sst s1  }
0xa: {  	[smem:$0x3FB0] =	sst s2  }
0xb: {  	[smem:$0x3FB1] =	sst s3  }
0xc: {  	[smem:$0x3FB2] =	sst s4  }
0xd: {  	[smem:$0x3FB3] =	sst s5  }
0xe: {  	[smem:$0x3FB4] =	sst s6  }
0xf: {  	[smem:$0x3FB5] =	sst s7  }
0x10: {  	[smem:$0x3FB6] =	sst s8  }
0x11: {  	[smem:$0x3FB7] =	sst s9;
	s0 =	simm.s32 @!p0 $0x0  }
0x12: {  	s1 =	sld [smem:$0x3F9D];
	s0 =	simm.s32 @p0 $0x1  }
0x13: {  	[smem:$0x3FB8] =	sst s0;
	s0 =	simm.s32 @!p1 $0x0  }
0x14: {  	s2 =	sld [smem:$0x3F9C];
	s0 =	simm.s32 @p1 $0x1  }
0x15: {  	[smem:$0x3FB9] =	sst s0;
	s0 =	simm.s32 @!p2 $0x0  }
0x16: {  	s3 =	sld [smem:$0x3FDB];
	s0 =	simm.s32 @p2 $0x1  }
0x17: {  	s4 =	simm.s32 $0x1BF5;
	[smem:$0x3FBB] =	sst s0  }
0x18: {  	s0 =	sld [smem:$0x3F9E];
	_ =	swait.ge [sflag:s4], $0x0  }
0x19: {  	s7 =	sld [smem:$0x3F9F]  }
0x1a: {  	s8 =	sadd.s32 $0xFFFFE003, lr  }
0x1b: {  	s9 =	sadd.s32 $0xFFFFFEF7, lr;
	s5 =	simm.s32 $0xFFFFFFFF;
	p2 =	slt.u32 s8, $0xFFFFF086  }
0x1c: {  	p1 =	slt.u32 s9, $0xF7A;
	s5 =	simm.s32 @!p2 $0x0  }
0x1d: {  	s5 =	simm.s32 @p1 $0x1;
	p0 =	seq.s32 s7, s2  }
0x1e: {  	s7 =	smul.u32 @!p0 $0xF7A, s2;
	p2 =	seq.s32 @!p0 s5, $0x0  }
0x1f: {  	s9 =	smul.u32 $0xF7A, s1;
	s8 =	simm.s32 @!p0 $0x1BF5;
	p2 =	por !p2, p0  }
0x20: {  	[sflag:s8] =	ssyncset.s32 @!p0 $0xFFFFF086;
	s6 =	sadd.s32 @!p0 s3, s7;
	s7 =	simm.s32 @!p0 $0x108  }
0x21: {  	s3 =	sadd.s32 s3, s9;
	s6 =	sadd.s32 @!p0 $0x88, s6;
	s7 =	simm.s32 @p2 $0x1082  }
0x22: {  	[simem:s7], [sflag:s8] =	dma.local @!p0 [hbm:s6], $0xF7A  }
0x23: {  	s9 =	sor.u32 $0xD0000000, s2;
	s6 =	simm.s32 $0x108;
	_ =	swait.ge @!p0 [sflag:s8], $0x0  }
0x24: {  	s3 =	sadd.s32 $0x88, s3;
	s6 =	simm.s32 @!p1 $0x1082;
	[sflag:s4] =	ssyncset.s32 $0xFFFFF086  }
0x25: {  	[simem:s6], [sflag:s4] =	dma.local [hbm:s3], $0xF7A  }
0x26: {  	[smem:$0x3F9F] =	sst s1;
	(tag) =	ssettag s2;
	_ =	strace s9  }
0x27: {  	s1 =	sld [smem:$0x3FAF]  }
0x28: {  	s2 =	sld [smem:$0x3FB0]  }
0x29: {  	s4 =	sld [smem:$0x3FB2]  }
0x2a: {  	p0 =	seq.s32 s5, $0x0;
	s5 =	sld [smem:$0x3FB3]  }
0x2b: {  	s6 =	sld [smem:$0x3FB4]  }
0x2c: {  	s7 =	sld [smem:$0x3FB5]  }
0x2d: {  	s3 =	simm.s32 $0x108;
	s8 =	sld [smem:$0x3FB6]  }
0x2e: {  	s3 =	simm.s32 @!p0 $0x1082;
	s9 =	sld [smem:$0x3FB7]  }
0x2f: {  	lr =	sadd.s32 s0, s3;
	s0 =	sld [smem:$0x3FAE]  }
0x30: {  	s3 =	sld [smem:$0x3FB1]  }
0x31: {  	[smem:$0x3FBA] =	sst s10  }
0x32: {  	s10 =	sld [smem:$0x3FB8];
	_ =	sdelay $0x3  }
0x33: {  	p0 =	seq.s32 s10, $0x1;
	s10 =	sld [smem:$0x3FBA];
	_ =	sdelay $0x3  }
0x34: {  	[smem:$0x3FBA] =	sst s10  }
0x35: {  	s10 =	sld [smem:$0x3FB9];
	_ =	sdelay $0x3  }
0x36: {  	p1 =	seq.s32 s10, $0x1;
	s10 =	sld [smem:$0x3FBA];
	_ =	sdelay $0x3  }
0x37: {  	[smem:$0x3FBA] =	sst s10  }
0x38: {  	s10 =	sld [smem:$0x3FBB]  }
0x39: {  	_ = 	snop;
	(pc) =	sbr.ind lr, $3  }
0x3a: {  	_ = 	snop  }
0x3b: {  	_ = 	snop  }
0x3c: {  	p2 =	seq.s32 s10, $0x1;
	s10 =	sld [smem:$0x3FBA]  }
0x3d: {  	_ =	shalt  }
0x3e: {  	_ =	shalt  }
0x3f: {  	_ =	shalt  }
0x40: {  	_ =	shalt  }
0x41: {  	_ =	shalt  }
0x42: {  	_ =	shalt  }
0x43: {  	_ =	shalt  }
0x44: {  	_ =	shalt  }
0x45: {  	_ =	shalt  }
0x46: {  	_ =	shalt  }
0x47: {  	_ =	shalt  }
0x48: {  	_ =	shalt  }
0x49: {  	_ =	shalt  }
0x4a: {  	_ =	shalt  }
0x4b: {  	_ =	shalt  }
0x4c: {  	_ =	shalt  }
0x4d: {  	_ =	shalt  }
0x4e: {  	_ =	shalt  }
0x4f: {  	_ =	shalt  }
0x50: {  	_ =	shalt  }
0x51: {  	_ =	shalt  }
0x52: {  	_ =	shalt  }
0x53: {  	_ =	shalt  }
0x54: {  	_ =	shalt  }
0x55: {  	_ =	shalt  }
0x56: {  	_ =	shalt  }
0x57: {  	_ =	shalt  }
0x58: {  	_ =	shalt  }
0x59: {  	_ =	shalt  }
0x5a: {  	_ =	shalt  }
0x5b: {  	_ =	shalt  }
0x5c: {  	_ =	shalt  }
0x5d: {  	_ =	shalt  }
0x5e: {  	_ =	shalt  }
0x5f: {  	_ =	shalt  }
0x60: {  	_ =	shalt  }
0x61: {  	_ =	shalt  }
0x62: {  	_ =	shalt  }
0x63: {  	_ =	shalt  }
0x64: {  	_ =	shalt  }
0x65: {  	_ =	shalt  }
0x66: {  	_ =	shalt  }
0x67: {  	_ =	shalt  }
0x68: {  	_ =	shalt  }
0x69: {  	_ =	shalt  }
0x6a: {  	_ =	shalt  }
0x6b: {  	_ =	shalt  }
0x6c: {  	_ =	shalt  }
0x6d: {  	_ =	shalt  }
0x6e: {  	_ =	shalt  }
0x6f: {  	_ =	shalt  }
0x70: {  	_ =	shalt  }
0x71: {  	_ =	shalt  }
0x72: {  	_ =	shalt  }
0x73: {  	_ =	shalt  }
0x74: {  	_ =	shalt  }
0x75: {  	_ =	shalt  }
0x76: {  	_ =	shalt  }
0x77: {  	_ =	shalt  }
0x78: {  	_ =	shalt  }
0x79: {  	_ =	shalt  }
0x7a: {  	_ =	shalt  }
0x7b: {  	_ =	shalt  }
0x7c: {  	_ =	shalt  }
0x7d: {  	_ =	shalt  }
0x7e: {  	_ =	shalt  }
0x7f: {  	_ =	shalt  }
0x80: {  	_ =	shalt  }
0x81: {  	_ =	shalt  }
0x82: {  	_ =	shalt  }
0x83: {  	_ =	shalt  }
0x84: {  	_ =	shalt  }
0x85: {  	_ =	shalt  }
0x86: {  	_ =	shalt  }
0x87: {  	_ =	shalt  }
.Lfunc_end0:
.L_simem_size_0:
called_computation_lowered:
.L_overlay_start_0:
0x88: {  	s2 =	sld [smem:$0x3FD9]  }
0x89: {  	s3 =	sld [smem:$0x3FFE];
	_ =	sdelay $0x1  }
0x8a: {  	s1 =	srdreg.scid  }
0x8b: {  	s0 =	sand.u32 $0x1, s1  }
0x8c: {  	s17 =	sshll.u32 s0, $0xA;
	s2 =	sadd.s32 s3, s2  }
0x8d: {  	s2 =	sadd.s32 s2, s17  }
0x8e: {  	[smem:$0x3FC6] =	sst s2  }
0x8f: {  	_ = 	snop  }
0x90: {  	s2 =	sld [smem:$0x3FC9]  }
0x91: {  	s18 =	sld [smem:$0x3FC8]  }
0x92: {  	s4 =	sld [smem:$0x3FD0];
	(tm) =	ssettm $0x1  }
0x93: {  	s5 =	sld [smem:$0x3FFB];
	_ =	sdelay $0x3  }
0x94: {  	_ =	strace s5  }
0x95: {  	s5 =	sld [smem:$0x3FFC];
	_ =	sdelay $0x3  }
0x96: {  	_ =	strace s5  }
0x97: {  	s5 =	sld [smem:$0x3FFD];
	_ =	sdelay $0x3  }
0x98: {  	_ =	strace s5  }
0x99: {  	_ =	strace $0x8FFFFFFF  }
0x9a: {  	s19 =	sld [smem:$0x3FDB];
	_ =	sdelay $0x1  }
0x9b: {  	s6 =	simm.s32 $_scs_section_size  }
0x9c: {  	s7 =	simm.s32 $_size__tile_overlayer_lowered;
	s8 =	simm.s32 $_tile_overlayer_lowered  }
0x9d: {  	s22 =	simm.s32 $0x1BFF;
	s21 =	sshll.u32 s8, $0x1;
	s5 =	sadd.s32 s6, s19  }
0x9e: {  	s9 =	simm.s32 $0x0;
	s20 =	sshll.u32 s7, $0x1;
	s7 =	sadd.s32 s21, s5  }
0x9f: {  	[timem:s9], [sflag:s22] =	dma.local [hbm:s7], s20  }
0xa0: {  	_ =	swait.ge [sflag:s22], s20  }
0xa1: {  	s6 =	ssub.s32 $0x0, s20;
	[sflag:s22] =	ssyncset.done $0x0  }
0xa2: {  	[sflag:s22] =	ssyncadd.s32 s6;
	_ =	sdelay $0x1  }
0xa3: {  	s23 =	simm.s32 $0x1B8B  }
0xa4: {  	_ =	swait.ge [sflag:s23], $0x1  }
0xa5: {  	[sflag:s23] =	ssyncset.done $0x0  }
0xa6: {  	s25 =	simm.s32 $0x1B8E;
	s24 =	sld [smem:$0x3FFE];
	[sflag:s23] =	ssyncadd.s32 $0xFFFFFFFF  }
0xa7: {  	s26 =	simm.s32 $execute0_lowered;
	[smem:$0x3FD2] =	sst s25  }
0xa8: {  	s7 =	sshll.u32 s26, $0x1;
	_ =	strace $0x80000046;
	[dreg:$0x1] =	wrdreg $0xFFFFFFFF  }
0xa9: {  	s28 =	simm.s32 $_size_execute0_lowered;
	s5 =	sadd.s32 s5, s7;
	[dreg:$0x0] =	wrdreg $0x0  }
0xaa: {  	s7 =	sshll.u32 s28, $0x1;
	[dreg:$0x2] =	wrdreg s5  }
0xab: {  	[dreg:$0x3] =	wrdreg s7  }
0xac: {  	[dreg:$0x4] =	wrdreg $0xC0  }
0xad: {  	_ =	task [dreg:s9], $0x5FFFF  }
0xae: {  	[dreg:$0x1] =	wrdreg $0xFFFFFFFF  }
0xaf: {  	[dreg:$0x0] =	wrdreg $0x60  }
0xb0: {  	[dreg:$0x2] =	wrdreg s2  }
0xb1: {  	[dreg:$0x3] =	wrdreg s18  }
0xb2: {  	[dreg:$0x4] =	wrdreg s24  }
0xb3: {  	[dreg:$0x5] =	wrdreg s4  }
0xb4: {  	[dreg:$0x6] =	wrdreg $0xA2800  }
0xb5: {  	[dreg:$0x7] =	wrdreg $0x1DB000  }
0xb6: {  	[dreg:$0x8] =	wrdreg $0x9  }
0xb7: {  	_ =	task.clear_ibuf [dreg:s9], $0x9FFFF;
	_ =	strace $0x90000046  }
0xb8: {  	s29 =	simm.s32 $0x9;
	_ =	strace $0x80000048  }
0xb9: {  	_ =	swait.ge [sflag:s29], $0x1  }
0xba: {  	[sflag:s29] =	ssyncadd.s32 $0xFFFFFFFF  }
0xbb: {  	_ =	strace $0x90000048  }
0xbc: {  	_ =	sfence  }
0xbd: {  	s30 =	sld [smem:$0x0];
	_ =	sdelay $0x2  }
0xbe: {  	s31 =	sshll.u32 s1, $0xD;
	s1 =	sshrl.u32 s1, $0x2  }
0xbf: {  	s3 =	sand.u32 $0x4000, s31;
	s1 =	sadd.s32 s1, s30  }
0xc0: {  	s0 =	sor.u32 s3, s0;
	s1 =	sshll.u32 s1, $0x11  }
0xc1: {  	s0 =	sor.u32 s1, s0  }
0xc2: {  	s0 =	sadd.s32 $0x8F2B, s0  }
0xc3: {  	[sflag:s0] =	ssyncadd.remote.s32 $0x1  }
0xc4: {  	_ =	sfence.sel $0xFFFF  }
0xc5: {  	[dreg:$0x0] =	wrdreg $0xFFFFFFFF;
	(pc) =	sbr.abs _section_cstart, $3  }
0xc6: {  	[dreg:$0x1] =	wrdreg $0xFFFFFFFF  }
0xc7: {  	_ =	task.clear_ibuf [dreg:s9], $0x2FFFF;
	_ =	strace $0x9FFFFFFF  }
0xc8: {  	(tm) =	ssettm $0x7FFFFFFF  }
0xc9: {  	_ =	shalt  }
tec
execute0_lowered:
.L_overlay_start_1:
0x0: {  	(tag) =	ssettag $0x1  }
0x1: {  	s3 =	rddreg [dreg:$0x0]  }
0x2: {  	s5 =	rddreg [dreg:$0x1]  }
0x3: {  	s0 =	rddreg [dreg:$0x2]  }
0x4: {  	s6 =	rddreg [dreg:$0x3]  }
0x5: {  	s1 =	srdreg.scid;
	s7 =	stileid.u32  }
0x6: {  	s28 =	simm.s32 $0x7;
	s30 =	simm.s32 $0x78F0;
	s4 =	smul.u32 $0x271, s7  }
0x7: {  	s29 =	simm.s32 $0x3;
	s8 =	sand.u32 $0x1, s1;
	s22 =	smul.u32 $0x4E20, s7  }
0x8: {  	s2 =	sshll.u32 s7, $0x1;
	s1 =	rddreg [dreg:$0x4];
	s9 =	smul.u32 $0x2710, s8  }
0x9: {  	s13 =	sor.u32 s8, s2;
	s18 =	ssub.s32 $0x2, s8;
	s8 =	smul.u32 $0x4E2, s8  }
0xa: {  	s31 =	simm.s32 $0x6;
	s2 =	rddreg [dreg:$0x5];
	s10 =	smul.u32 $0x2710, s13  }
0xb: {  	s11 =	sshrl.u32 s18, $0x1;
	s13 =	smul.u32 $0x27100, s13;
	s14 =	sadd.s32 s4, s9  }
0xc: {  	s4 =	ssub.s32 s18, s11;
	s9 =	sadd.s32 s9, s22;
	s6 =	sadd.s32 s6, s8  }
0xd: {  	s15 =	sadd.s32 $0x50, s10;
	s16 =	sadd.s32 $0xA0, s10;
	s21 =	sshrl.u32 s10, $0x3  }
0xe: {  	s17 =	sadd.s32 $0xF0, s10;
	s18 =	sadd.s32 $0x140, s10;
	[dreg:$0xc] =	wrdreg s6  }
0xf: {  	s26 =	sadd.s32 $0x230, s9;
	s22 =	sadd.s32 s3, s13;
	s19 =	sshrl.u32 s15, $0x3  }
0x10: {  	s12 =	sshrl.u32 s16, $0x3;
	s23 =	sshrl.u32 s17, $0x3;
	s25 =	sshrl.u32 s18, $0x3  }
0x11: {  	s15 =	sshll.u32 s15, $0x4;
	[dreg:$0xf] =	wrdreg s22;
	s11 =	sadd.s32 s5, s19  }
0x12: {  	s16 =	sshll.u32 s16, $0x4;
	s20 =	sadd.s32 s5, s12;
	[dreg:$0x7] =	wrdreg s11  }
0x13: {  	s24 =	sadd.s32 s5, s23;
	s10 =	sadd.s32 s5, s25;
	[dreg:$0x8] =	wrdreg s20  }
0x14: {  	s19 =	sadd.s32 $0x1E0, s9;
	s11 =	sadd.s32 s5, s21;
	[dreg:$0xa] =	wrdreg s24  }
0x15: {  	[dreg:$0xb] =	wrdreg s10;
	s10 =	sshrl.u32 s26, $0x3;
	s20 =	sadd.s32 $0x190, s9  }
0x16: {  	s21 =	sadd.s32 s3, s16;
	s24 =	sshll.u32 s18, $0x4;
	[dreg:$0x9] =	wrdreg s11  }
0x17: {  	s9 =	sadd.s32 s10, s5;
	s11 =	sshrl.u32 s19, $0x3;
	s12 =	sshrl.u32 s20, $0x3  }
0x18: {  	[dreg:$0xe] =	wrdreg s21;
	s25 =	sadd.s32 s3, s24;
	s10 =	sadd.s32 s11, s5  }
0x19: {  	s11 =	sadd.s32 s12, s5;
	s12 =	simm.s32 $0x0;
	[dreg:$0x11] =	wrdreg s25  }
0x1a: {  	s23 =	sshll.u32 s17, $0x4;
	s5 =	sadd.s32 s3, s15;
	[smem:$0x7FF] =	sst s12  }
0x1b: {  	s26 =	sshll.u32 s26, $0x4;
	[dreg:$0xd] =	wrdreg s5;
	s5 =	sadd.s32 s3, s23  }
0x1c: {  	s6 =	sshll.u32 s19, $0x4;
	[dreg:$0x10] =	wrdreg s5;
	s5 =	sadd.s32 s26, s3  }
0x1d: {  	s8 =	sshll.u32 s20, $0x4;
	[dreg:$0x12] =	wrdreg s5;
	s5 =	sadd.s32 s6, s3  }
0x1e: {  	p0 =	sne.s32 s7, $0x0;
	s3 =	sadd.s32 s8, s3;
	[dreg:$0x13] =	wrdreg s5  }
0x1f: {  	s14 =	sshll.u32 s14, $0x4;
	s15 =	sadd.s32 $0xE00, s0;
	[dreg:$0x14] =	wrdreg s3  }
0x20: {  	s16 =	sadd.s32 $0xC00, s0;
	_ =	strace $0x80000047;
	[dreg:$0x15] =	wrdreg s15  }
0x21: {  	s5 =	sadd.s32 s14, s0;
	s0 =	sadd.s32 $0xA00, s0;
	[smem:$0x7F5] =	sst s16  }
0x22: {  	s13 =	smul.u32 $0x4E200, s7;
	s26 =	smax.u32 s4, $0x1;
	[dreg:$0x16] =	wrdreg s0  }
0x23: {  	s7 =	simm.s32 $0x2;
	s17 =	sadd.s32 $0x1400, s5;
	[dreg:$0x1f] =	wrdreg s26  }
0x24: {  	s6 =	simm.s32 $0x4;
	s19 =	sadd.s32 $0x1900, s5;
	[dreg:$0x17] =	wrdreg s17  }
0x25: {  	s8 =	simm.s32 $0x5;
	s20 =	sadd.s32 $0x1E00, s5;
	[dreg:$0x18] =	wrdreg s19  }
0x26: {  	s3 =	sshrl.u32 s13, $0x2;
	s21 =	sadd.s32 $0x2300, s5;
	[dreg:$0x19] =	wrdreg s20  }
0x27: {  	s18 =	sadd.s32 s3, s1;
	s22 =	sadd.s32 $0x2800, s5;
	[dreg:$0x1a] =	wrdreg s21  }
0x28: {  	s23 =	sadd.s32 $0x2D00, s5;
	s24 =	sadd.s32 $0x3200, s5;
	[dreg:$0x1b] =	wrdreg s22  }
0x29: {  	s25 =	sadd.s32 $0x3700, s5;
	s0 =	sadd.s32 $0x7D0, s2;
	[dreg:$0x1c] =	wrdreg s23  }
0x2a: {  	s3 =	sadd.s32 $0x1F40, s2;
	s26 =	simm.s32 $0xF0;
	[dreg:$0x1d] =	wrdreg s24  }
0x2b: {  	s5 =	simm.s32 $0x1;
	[dreg:$0x1e] =	wrdreg s25;
	s0 =	sshrl.u32 @!p0 s0, $0x3  }
0x2c: {  	s16 =	sadd.s32 $0x2800, s18;
	s17 =	sadd.s32 $0x5000, s18;
	s13 =	sadd.s32 $0xA000, s18  }
0x2d: {  	s14 =	sadd.s32 $0xC800, s18;
	s15 =	sadd.s32 $0xF000, s18;
	[smem:$0x7F6] =	sst s0  }
0x2e: {  	s20 =	simm.s32 $0x28F0;
	s0 =	sadd.s32 $0xFA0, s2;
	[smem:$0x7FB] =	sst s13  }
0x2f: {  	s21 =	simm.s32 $0x50;
	[smem:$0x7FC] =	sst s14;
	s0 =	sshrl.u32 @!p0 s0, $0x3  }
.Ltmp0:
0x30: {  	[smem:$0x7F7] =	sst s0;
	s0 =	sadd.s32 $0x1770, s2;
	(pc) =	sbr.rel .LBB2_1-.Ltmp0, $4  }
0x31: {  	s23 =	simm.s32 $0x50F0;
	[smem:$0x7FD] =	sst s15;
	s0 =	sshrl.u32 @!p0 s0, $0x3  }
0x32: {  	s25 =	simm.s32 $0xA0;
	[smem:$0x7F8] =	sst s0;
	s0 =	sshrl.u32 @!p0 s3, $0x3  }
0x33: {  	s22 =	simm.s32 $0xA000;
	[smem:$0x7F9] =	sst s0;
	s0 =	sadd.s32 $0x7800, s18  }
0x34: {  	v0 =	vimm.f32 $1.000000000e+00;
	s24 =	simm.s32 $0x0;
	s3 =	sadd.s32 $0x11800, s18;
	[smem:$0x7FA] =	sst s0  }
.LBB2_4:
0x35: {  	s4 =	simm.s32 $0x7D  }
0x36: {  	[spmem:s2] =	stream.indirect.scatter.add.f32 [tilespmem:s30], [sflag:$0x7], $0x10, s22, s4, $0xb8;
	[tilespmem:$0x1DD78] =	vst v63  }
0x37: {  	_ =	swait.ge [sflag:s28], $0x7D0  }
0x38: {  	[sflag:s28] =	ssyncset.done $0x0  }
0x39: {  	s14 =	simm.s32 $0x80C0;
	s13 =	simm.s32 $0xA080;
	[sflag:s28] =	ssyncadd.s32 $0xFFFFF830  }
0x3a: {  	[spmem:s2] =	stream.indirect.scatter.add.f32 [tilespmem:s14], [sflag:$0x7], $0x10, s13, s4, $0xb8;
	[tilespmem:$0x1DD78] =	vst v63  }
0x3b: {  	_ =	swait.ge [sflag:s28], $0x7D0  }
0x3c: {  	[sflag:s28] =	ssyncset.done $0x0  }
0x3d: {  	s16 =	simm.s32 $0x8890;
	s17 =	simm.s32 $0xA100;
	[sflag:s28] =	ssyncadd.s32 $0xFFFFF830  }
0x3e: {  	[spmem:s2] =	stream.indirect.scatter.add.f32 [tilespmem:s16], [sflag:$0x7], $0x10, s17, s4, $0xb8;
	[tilespmem:$0x1DD78] =	vst v63  }
0x3f: {  	_ =	swait.ge [sflag:s28], $0x7D0  }
0x40: {  	[sflag:s28] =	ssyncset.done $0x0  }
0x41: {  	s18 =	simm.s32 $0x9060;
	s22 =	simm.s32 $0xA180;
	[sflag:s28] =	ssyncadd.s32 $0xFFFFF830  }
0x42: {  	[spmem:s2] =	stream.indirect.scatter.add.f32 [tilespmem:s18], [sflag:$0x7], $0x10, s22, s4, $0xb8;
	[tilespmem:$0x1DD78] =	vst v63  }
0x43: {  	_ =	swait.ge [sflag:s28], $0x7D0  }
0x44: {  	[sflag:s28] =	ssyncset.done $0x0  }
0x45: {  	s15 =	simm.s32 $0xA200;
	s13 =	simm.s32 $0x9830;
	[sflag:s28] =	ssyncadd.s32 $0xFFFFF830  }
0x46: {  	[spmem:s2] =	stream.indirect.scatter.add.f32 [tilespmem:s13], [sflag:$0x7], $0x10, s15, s4, $0xb8;
	[tilespmem:$0x1DD78] =	vst v63  }
0x47: {  	_ =	swait.ge [sflag:s28], $0x7D0  }
0x48: {  	[sflag:s28] =	ssyncset.done $0x0  }
0x49: {  	[sflag:s28] =	ssyncadd.s32 $0xFFFFF830  }
0x4a: {  	[bflag:$0x0] =	sbarrier.arrive $0xFFFF  }
0x4b: {  	[tilespmem:s26], [sflag:$0x7] =	stream.linear.gather [spmem:s0], $0x2800, $0x38;
	[tilespmem:$0x1DD78] =	vst v63  }
0x4c: {  	_ =	swait.ge [sflag:s28], $0x2800  }
0x4d: {  	[sflag:s28] =	ssyncset.done $0x0  }
0x4e: {  	s16 =	rddreg [dreg:$0x17];
	[sflag:s28] =	ssyncadd.s32 $0xFFFFD800  }
0x4f: {  	[hbm4b:s16+s12] =	stream.linear.scatter [tilespmem:s26], [sflag:$0x7], $0x2800, $0x38;
	[tilespmem:$0x1DD78] =	vst v63  }
0x50: {  	_ =	swait.ge [sflag:s28], $0x2800  }
0x51: {  	[sflag:s28] =	ssyncset.done $0x0  }
0x52: {  	[sflag:s28] =	ssyncadd.s32 $0xFFFFD800  }
0x53: {  	[tilespmem:s26], [sflag:$0x7] =	stream.linear.gather [spmem:s19], $0x2800, $0x38;
	[tilespmem:$0x1DD78] =	vst v63  }
0x54: {  	_ =	swait.ge [sflag:s28], $0x2800  }
0x55: {  	[sflag:s28] =	ssyncset.done $0x0  }
0x56: {  	s17 =	rddreg [dreg:$0x18];
	[sflag:s28] =	ssyncadd.s32 $0xFFFFD800  }
0x57: {  	[hbm4b:s17+s12] =	stream.linear.scatter [tilespmem:s26], [sflag:$0x7], $0x2800, $0x38;
	[tilespmem:$0x1DD78] =	vst v63  }
0x58: {  	_ =	swait.ge [sflag:s28], $0x2800  }
0x59: {  	[sflag:s28] =	ssyncset.done $0x0  }
0x5a: {  	[sflag:s28] =	ssyncadd.s32 $0xFFFFD800  }
0x5b: {  	[tilespmem:s26], [sflag:$0x7] =	stream.linear.gather [spmem:s24], $0x2800, $0x38;
	[tilespmem:$0x1DD78] =	vst v63  }
0x5c: {  	_ =	swait.ge [sflag:s28], $0x2800  }
0x5d: {  	[sflag:s28] =	ssyncset.done $0x0  }
0x5e: {  	s16 =	smov.u32 s19;
	s19 =	rddreg [dreg:$0x19];
	[sflag:s28] =	ssyncadd.s32 $0xFFFFD800  }
0x5f: {  	[hbm4b:s19+s12] =	stream.linear.scatter [tilespmem:s26], [sflag:$0x7], $0x2800, $0x38;
	[tilespmem:$0x1DD78] =	vst v63  }
0x60: {  	_ =	swait.ge [sflag:s28], $0x2800  }
0x61: {  	s18 =	smov.u32 s0;
	s0 =	sld [smem:$0x7FA]  }
0x62: {  	[sflag:s28] =	ssyncset.done $0x0  }
0x63: {  	[sflag:s28] =	ssyncadd.s32 $0xFFFFD800  }
0x64: {  	[tilespmem:s26], [sflag:$0x7] =	stream.linear.gather [spmem:s0], $0x2800, $0x38;
	[tilespmem:$0x1DD78] =	vst v63  }
0x65: {  	_ =	swait.ge [sflag:s28], $0x2800  }
0x66: {  	[sflag:s28] =	ssyncset.done $0x0  }
0x67: {  	s22 =	rddreg [dreg:$0x1a];
	[sflag:s28] =	ssyncadd.s32 $0xFFFFD800  }
0x68: {  	[hbm4b:s22+s12] =	stream.linear.scatter [tilespmem:s26], [sflag:$0x7], $0x2800, $0x38;
	[tilespmem:$0x1DD78] =	vst v63  }
0x69: {  	_ =	swait.ge [sflag:s28], $0x2800  }
0x6a: {  	s19 =	sld [smem:$0x7FB]  }
0x6b: {  	[sflag:s28] =	ssyncset.done $0x0  }
0x6c: {  	[sflag:s28] =	ssyncadd.s32 $0xFFFFD800  }
0x6d: {  	[tilespmem:s26], [sflag:$0x7] =	stream.linear.gather [spmem:s19], $0x2800, $0x38;
	[tilespmem:$0x1DD78] =	vst v63  }
0x6e: {  	_ =	swait.ge [sflag:s28], $0x2800  }
0x6f: {  	[sflag:s28] =	ssyncset.done $0x0  }
0x70: {  	s17 =	smov.u32 s24;
	s24 =	rddreg [dreg:$0x1b];
	[sflag:s28] =	ssyncadd.s32 $0xFFFFD800  }
0x71: {  	[hbm4b:s24+s12] =	stream.linear.scatter [tilespmem:s26], [sflag:$0x7], $0x2800, $0x38;
	[tilespmem:$0x1DD78] =	vst v63  }
0x72: {  	_ =	swait.ge [sflag:s28], $0x2800  }
0x73: {  	s24 =	sld [smem:$0x7FC]  }
0x74: {  	[sflag:s28] =	ssyncset.done $0x0  }
0x75: {  	[sflag:s28] =	ssyncadd.s32 $0xFFFFD800  }
0x76: {  	[tilespmem:s26], [sflag:$0x7] =	stream.linear.gather [spmem:s24], $0x2800, $0x38;
	[tilespmem:$0x1DD78] =	vst v63  }
0x77: {  	_ =	swait.ge [sflag:s28], $0x2800  }
0x78: {  	[sflag:s28] =	ssyncset.done $0x0  }
0x79: {  	s13 =	rddreg [dreg:$0x1c];
	[sflag:s28] =	ssyncadd.s32 $0xFFFFD800  }
0x7a: {  	[hbm4b:s13+s12] =	stream.linear.scatter [tilespmem:s26], [sflag:$0x7], $0x2800, $0x38;
	[tilespmem:$0x1DD78] =	vst v63  }
0x7b: {  	_ =	swait.ge [sflag:s28], $0x2800  }
0x7c: {  	s22 =	smov.u32 s3;
	s3 =	smov.u32 s2;
	s2 =	sld [smem:$0x7FD]  }
0x7d: {  	[sflag:s28] =	ssyncset.done $0x0  }
0x7e: {  	[sflag:s28] =	ssyncadd.s32 $0xFFFFD800  }
0x7f: {  	[tilespmem:s26], [sflag:$0x7] =	stream.linear.gather [spmem:s2], $0x2800, $0x38;
	[tilespmem:$0x1DD78] =	vst v63  }
0x80: {  	_ =	swait.ge [sflag:s28], $0x2800  }
0x81: {  	[sflag:s28] =	ssyncset.done $0x0  }
0x82: {  	s14 =	rddreg [dreg:$0x1d];
	[sflag:s28] =	ssyncadd.s32 $0xFFFFD800  }
0x83: {  	[hbm4b:s14+s12] =	stream.linear.scatter [tilespmem:s26], [sflag:$0x7], $0x2800, $0x38;
	[tilespmem:$0x1DD78] =	vst v63  }
0x84: {  	_ =	swait.ge [sflag:s28], $0x2800  }
0x85: {  	[sflag:s28] =	ssyncset.done $0x0  }
0x86: {  	[sflag:s28] =	ssyncadd.s32 $0xFFFFD800  }
0x87: {  	[tilespmem:s26], [sflag:$0x7] =	stream.linear.gather [spmem:s22], $0x2080, $0x38;
	[tilespmem:$0x1DD78] =	vst v63  }
0x88: {  	_ =	swait.ge [sflag:s28], $0x2080  }
0x89: {  	[sflag:s28] =	ssyncset.done $0x0  }
0x8a: {  	s15 =	rddreg [dreg:$0x1e];
	[sflag:s28] =	ssyncadd.s32 $0xFFFFDF80  }
0x8b: {  	[hbm4b:s15+s12] =	stream.linear.scatter [tilespmem:s26], [sflag:$0x7], $0x2080, $0x38;
	[tilespmem:$0x1DD78] =	vst v63  }
0x8c: {  	_ =	swait.ge [sflag:s28], $0x2080  }
0x8d: {  	[sflag:s28] =	ssyncset.done $0x0  }
0x8e: {  	s4 =	simm.s32 @!p0 $0x78F0;
	s13 =	simm.s32 @!p0 $0x7;
	[sflag:s28] =	ssyncadd.s32 $0xFFFFDF80  }
0x8f: {  	[tilespmem:s4], [sflag:$0x7] =	stream.linear.gather @!p0 [spmem:s3], $0x2710, $0x38;
	[tilespmem:$0x1DD78] =	vst v63  }
0x90: {  	_ =	swait.ge @!p0 [sflag:s13], $0x2710  }
0x91: {  	[sflag:s13] =	ssyncset.done @!p0 $0x0  }
0x92: {  	s14 =	simm.s32 @!p0 $0x0;
	s15 =	rddreg [dreg:$0xc];
	[sflag:s13] =	ssyncadd.s32 @!p0 $0xFFFFD8F0  }
0x93: {  	[hbm4b:s15+s14] =	stream.linear.scatter @!p0 [tilespmem:s4], [sflag:$0x7], $0x2710, $0x38;
	[tilespmem:$0x1DD78] =	vst v63  }
0x94: {  	_ =	swait.ge @!p0 [sflag:s13], $0x2710  }
0x95: {  	s4 =	sld [smem:$0x7F4];
	_ =	sdelay $0x2  }
0x96: {  	s14 =	smov.u32 s24;
	s24 =	sadd.s32 $0x1, s4;
	s4 =	rddreg [dreg:$0x1f]  }
0x97: {  	p1 =	sne.s32 s24, s4  }
.Ltmp1:
0x98: {  	_ = 	snop;
	(pc) =	sbr.rel @!p1 .LBB2_5-.Ltmp1, $4  }
0x99: {  	_ = 	snop  }
0x9a: {  	s15 =	smov.u32 s2  }
0x9b: {  	s2 =	smov.u32 s3;
	s3 =	smov.u32 s22;
	[sflag:s13] =	ssyncset.done @!p0 $0x0  }
0x9c: {  	s22 =	simm.s32 $0xA000;
	[sflag:s13] =	ssyncadd.s32 @!p0 $0xFFFFD8F0;
	s13 =	smov.u32 s19  }
.LBB2_1:
0x9d: {  	[smem:$0x7F4] =	sst s24  }
0x9e: {  	s4 =	rddreg [dreg:$0xd]  }
0x9f: {  	[tilespmem:s20], [sflag:$0x2] =	stream.linear.gather [hbm4b:s4+s12], $0x2800, $0x38;
	[tilespmem:$0x1DD78] =	vst v63  }
0xa0: {  	s19 =	rddreg [dreg:$0x7]  }
0xa1: {  	[tilespmem:s21], [sflag:$0x5] =	stream.linear.gather [hbm4b:s19+s12], $0x50, $0x38;
	[tilespmem:$0x1DD78] =	vst v63  }
0xa2: {  	s24 =	rddreg [dreg:$0xe]  }
0xa3: {  	[tilespmem:s23], [sflag:$0x3] =	stream.linear.gather [hbm4b:s24+s12], $0x2800, $0x38;
	[tilespmem:$0x1DD78] =	vst v63  }
0xa4: {  	s19 =	rddreg [dreg:$0x8]  }
0xa5: {  	[tilespmem:s25], [sflag:$0x6] =	stream.linear.gather [hbm4b:s19+s12], $0x50, $0x38;
	[tilespmem:$0x1DD78] =	vst v63  }
0xa6: {  	s24 =	rddreg [dreg:$0x15]  }
0xa7: {  	[tilespmem:s26], [sflag:$0x7] =	stream.linear.gather [hbm4b:s24+s12], $0x2800, $0x38;
	[tilespmem:$0x1DD78] =	vst v63  }
0xa8: {  	_ =	swait.ge [sflag:s28], $0x2800  }
0xa9: {  	[sflag:s28] =	ssyncset.done $0x0  }
0xaa: {  	[sflag:s28] =	ssyncadd.s32 $0xFFFFD800  }
0xab: {  	[spmem:s18] =	stream.linear.scatter [tilespmem:s26], [sflag:$0x7], $0x2800, $0x38;
	[tilespmem:$0x1DD78] =	vst v63  }
0xac: {  	_ =	swait.ge [sflag:s28], $0x2800  }
0xad: {  	[sflag:s28] =	ssyncset.done $0x0  }
0xae: {  	[sflag:s28] =	ssyncadd.s32 $0xFFFFD800  }
0xaf: {  	[spmem:s16] =	stream.linear.scatter [tilespmem:s26], [sflag:$0x7], $0x2800, $0x38;
	[tilespmem:$0x1DD78] =	vst v63  }
0xb0: {  	_ =	swait.ge [sflag:s28], $0x2800  }
0xb1: {  	[sflag:s28] =	ssyncset.done $0x0  }
0xb2: {  	[sflag:s28] =	ssyncadd.s32 $0xFFFFD800  }
0xb3: {  	[spmem:s17] =	stream.linear.scatter [tilespmem:s26], [sflag:$0x7], $0x2800, $0x38;
	[tilespmem:$0x1DD78] =	vst v63  }
0xb4: {  	_ =	swait.ge [sflag:s28], $0x2800  }
0xb5: {  	[sflag:s28] =	ssyncset.done $0x0  }
0xb6: {  	s4 =	smov.u32 s0;
	[sflag:s28] =	ssyncadd.s32 $0xFFFFD800  }
0xb7: {  	[spmem:s4] =	stream.linear.scatter [tilespmem:s26], [sflag:$0x7], $0x2800, $0x38;
	[tilespmem:$0x1DD78] =	vst v63  }
0xb8: {  	_ =	swait.ge [sflag:s28], $0x2800  }
0xb9: {  	[sflag:s28] =	ssyncset.done $0x0  }
0xba: {  	[sflag:s28] =	ssyncadd.s32 $0xFFFFD800  }
0xbb: {  	[spmem:s13] =	stream.linear.scatter [tilespmem:s26], [sflag:$0x7], $0x2800, $0x38;
	[tilespmem:$0x1DD78] =	vst v63  }
0xbc: {  	_ =	swait.ge [sflag:s28], $0x2800  }
0xbd: {  	[sflag:s28] =	ssyncset.done $0x0  }
0xbe: {  	[sflag:s28] =	ssyncadd.s32 $0xFFFFD800  }
0xbf: {  	[spmem:s14] =	stream.linear.scatter [tilespmem:s26], [sflag:$0x7], $0x2800, $0x38;
	[tilespmem:$0x1DD78] =	vst v63  }
0xc0: {  	_ =	swait.ge [sflag:s28], $0x2800  }
0xc1: {  	[sflag:s28] =	ssyncset.done $0x0  }
0xc2: {  	[sflag:s28] =	ssyncadd.s32 $0xFFFFD800  }
0xc3: {  	[spmem:s15] =	stream.linear.scatter [tilespmem:s26], [sflag:$0x7], $0x2800, $0x38;
	[tilespmem:$0x1DD78] =	vst v63  }
0xc4: {  	_ =	swait.ge [sflag:s28], $0x2800  }
0xc5: {  	[sflag:s28] =	ssyncset.done $0x0  }
0xc6: {  	[sflag:s28] =	ssyncadd.s32 $0xFFFFD800  }
0xc7: {  	[spmem:s3] =	stream.linear.scatter [tilespmem:s26], [sflag:$0x7], $0x2080, $0x38;
	[tilespmem:$0x1DD78] =	vst v63  }
0xc8: {  	_ =	swait.ge [sflag:s28], $0x2080  }
0xc9: {  	[sflag:s28] =	ssyncset.done $0x0  }
0xca: {  	s14 =	rddreg [dreg:$0xf];
	[sflag:s28] =	ssyncadd.s32 $0xFFFFDF80  }
0xcb: {  	[tilespmem:s26], [sflag:$0x1] =	stream.linear.gather [hbm4b:s14+s12], $0x2800, $0x38;
	[tilespmem:$0x1DD78] =	vst v63  }
0xcc: {  	s15 =	rddreg [dreg:$0x9]  }
0xcd: {  	[tilespmem:s12], [sflag:$0x4] =	stream.linear.gather [hbm4b:s15+s12], $0x50, $0x38;
	[tilespmem:$0x1DD78] =	vst v63  }
0xce: {  	s19 =	smov.u32 s16;
	s16 =	rddreg [dreg:$0x16]  }
0xcf: {  	[tilespmem:s22], [sflag:$0x7] =	stream.linear.gather [hbm4b:s16+s12], $0x280, $0x38;
	[tilespmem:$0x1DD78] =	vst v63  }
0xd0: {  	_ =	swait.ge [sflag:s28], $0x280  }
0xd1: {  	s15 =	sld [smem:$0x7F5]  }
0xd2: {  	[sflag:s28] =	ssyncset.done $0x0  }
0xd3: {  	[sflag:s28] =	ssyncadd.s32 $0xFFFFFD80  }
0xd4: {  	[tilespmem:s30], [sflag:$0x7] =	stream.linear.gather [hbm4b:s15+s12], $0x7D0, $0x38;
	[tilespmem:$0x1DD78] =	vst v63  }
0xd5: {  	_ =	swait.ge [sflag:s28], $0x7D0  }
0xd6: {  	[sflag:s28] =	ssyncset.done $0x0  }
0xd7: {  	s24 =	smov.u32 s17;
	s17 =	simm.s32 $0x80C0;
	[sflag:s28] =	ssyncadd.s32 $0xFFFFF830  }
0xd8: {  	[tilespmem:s17], [sflag:$0x7] =	stream.linear.gather [hbm4b:s15+s12], $0x7D0, $0x38;
	[tilespmem:$0x1DD78] =	vst v63  }
0xd9: {  	_ =	swait.ge [sflag:s28], $0x7D0  }
0xda: {  	[sflag:s28] =	ssyncset.done $0x0  }
0xdb: {  	s0 =	smov.u32 s18;
	s18 =	simm.s32 $0x8890;
	[sflag:s28] =	ssyncadd.s32 $0xFFFFF830  }
0xdc: {  	[tilespmem:s18], [sflag:$0x7] =	stream.linear.gather [hbm4b:s15+s12], $0x7D0, $0x38;
	[tilespmem:$0x1DD78] =	vst v63  }
0xdd: {  	_ =	swait.ge [sflag:s28], $0x7D0  }
0xde: {  	[sflag:s28] =	ssyncset.done $0x0  }
0xdf: {  	s13 =	simm.s32 $0x9060;
	[sflag:s28] =	ssyncadd.s32 $0xFFFFF830  }
0xe0: {  	[tilespmem:s13], [sflag:$0x7] =	stream.linear.gather [hbm4b:s15+s12], $0x7D0, $0x38;
	[tilespmem:$0x1DD78] =	vst v63  }
0xe1: {  	_ =	swait.ge [sflag:s28], $0x7D0  }
0xe2: {  	[sflag:s28] =	ssyncset.done $0x0  }
0xe3: {  	s14 =	simm.s32 $0x9830;
	[sflag:s28] =	ssyncadd.s32 $0xFFFFF830  }
0xe4: {  	[tilespmem:s14], [sflag:$0x7] =	stream.linear.gather [hbm4b:s15+s12], $0x7D0, $0x38;
	[tilespmem:$0x1DD78] =	vst v63  }
0xe5: {  	_ =	swait.ge [sflag:s28], $0x7D0  }
0xe6: {  	[sflag:s28] =	ssyncset.done $0x0  }
0xe7: {  	s4 =	sshrl.u32 @!p0 s2, $0x3;
	s13 =	simm.s32 @!p0 $0x1C07;
	[sflag:s28] =	ssyncadd.s32 $0xFFFFF830  }
0xe8: {  	[spmem:s4], [sflag:s13] =	dma.local @!p0 [hbm:s15], $0xFA  }
0xe9: {  	s4 =	simm.s32 @!p0 $0x7  }
0xea: {  	_ =	swait.ge @!p0 [sflag:s4], $0xFA  }
0xeb: {  	s14 =	sld [smem:$0x7F6]  }
0xec: {  	[sflag:s4] =	ssyncset.done @!p0 $0x0  }
0xed: {  	[sflag:s4] =	ssyncadd.s32 @!p0 $0xFFFFFF06  }
0xee: {  	[spmem:s14], [sflag:s13] =	dma.local @!p0 [hbm:s15], $0xFA  }
0xef: {  	_ =	swait.ge @!p0 [sflag:s4], $0xFA  }
0xf0: {  	s14 =	sld [smem:$0x7F7]  }
0xf1: {  	[sflag:s4] =	ssyncset.done @!p0 $0x0  }
0xf2: {  	[sflag:s4] =	ssyncadd.s32 @!p0 $0xFFFFFF06  }
0xf3: {  	[spmem:s14], [sflag:s13] =	dma.local @!p0 [hbm:s15], $0xFA  }
0xf4: {  	_ =	swait.ge @!p0 [sflag:s4], $0xFA  }
0xf5: {  	s14 =	sld [smem:$0x7F8]  }
0xf6: {  	[sflag:s4] =	ssyncset.done @!p0 $0x0  }
0xf7: {  	[sflag:s4] =	ssyncadd.s32 @!p0 $0xFFFFFF06  }
0xf8: {  	[spmem:s14], [sflag:s13] =	dma.local @!p0 [hbm:s15], $0xFA  }
0xf9: {  	_ =	swait.ge @!p0 [sflag:s4], $0xFA  }
0xfa: {  	s14 =	sld [smem:$0x7F9]  }
0xfb: {  	[sflag:s4] =	ssyncset.done @!p0 $0x0  }
0xfc: {  	[sflag:s4] =	ssyncadd.s32 @!p0 $0xFFFFFF06  }
0xfd: {  	[spmem:s14], [sflag:s13] =	dma.local @!p0 [hbm:s15], $0xFA  }
0xfe: {  	_ =	swait.ge @!p0 [sflag:s4], $0xFA  }
0xff: {  	[sflag:s4] =	ssyncset.done @!p0 $0x0  }
0x100: {  	[sflag:s4] =	ssyncadd.s32 @!p0 $0xFFFFFF06  }
0x101: {  	[bflag:$0x0] =	sbarrier.arrive $0xFFFF  }
0x102: {  	_ =	swait.ge [sflag:s5], $0x2800  }
0x103: {  	[sflag:s5] =	ssyncset.done $0x0  }
0x104: {  	[sflag:s5] =	ssyncadd.s32 $0xFFFFD800  }
0x105: {  	_ =	swait.ge [sflag:s6], $0x50  }
0x106: {  	[sflag:s6] =	ssyncset.done $0x0  }
0x107: {  	[sflag:s6] =	ssyncadd.s32 $0xFFFFFFB0  }
0x108: {  	[spmem:s1] =	stream.indirect.scatter.add.f32 [tilespmem:s26], [sflag:$0x7], $0x80, s12, s21, $0xb8;
	[tilespmem:$0x1DD78] =	vst v63  }
0x109: {  	_ =	swait.ge [sflag:s28], $0x2800  }
0x10a: {  	[sflag:s28] =	ssyncset.done $0x0  }
0x10b: {  	[sflag:s28] =	ssyncadd.s32 $0xFFFFD800  }
0x10c: {  	v1 =	vld [tilespmem:$0x0];
	_ =	sdelay $0x7  }
0x10d: {  	[tilespmem:v1+s30+$0x0] =	vst.idx.add.f32.msk $0xffff, v0  }
0x10e: {  	v1 =	vld [tilespmem:$0x10];
	_ =	sdelay $0x7  }
0x10f: {  	[tilespmem:v1+s30+$0x0] =	vst.idx.add.f32.msk $0xffff, v0  }
0x110: {  	v1 =	vld [tilespmem:$0x20];
	_ =	sdelay $0x7  }
0x111: {  	[tilespmem:v1+s30+$0x0] =	vst.idx.add.f32.msk $0xffff, v0  }
0x112: {  	v1 =	vld [tilespmem:$0x30];
	_ =	sdelay $0x7  }
0x113: {  	[tilespmem:v1+s30+$0x0] =	vst.idx.add.f32.msk $0xffff, v0  }
0x114: {  	v1 =	vld [tilespmem:$0x40];
	_ =	sdelay $0x7  }
0x115: {  	s15 =	rddreg [dreg:$0x10];
	[tilespmem:v1+s30+$0x0] =	vst.idx.add.f32.msk $0xffff, v0  }
0x116: {  	[tilespmem:s26], [sflag:$0x1] =	stream.linear.gather [hbm4b:s15+s12], $0x2800, $0x38;
	[tilespmem:$0x1DD78] =	vst v63  }
0x117: {  	s16 =	rddreg [dreg:$0xa]  }
0x118: {  	[tilespmem:s12], [sflag:$0x4] =	stream.linear.gather [hbm4b:s16+s12], $0x50, $0x38;
	[tilespmem:$0x1DD78] =	vst v63  }
0x119: {  	_ =	swait.ge [sflag:s7], $0x2800  }
0x11a: {  	[sflag:s7] =	ssyncset.done $0x0  }
0x11b: {  	[sflag:s7] =	ssyncadd.s32 $0xFFFFD800  }
0x11c: {  	_ =	swait.ge [sflag:s8], $0x50  }
0x11d: {  	[sflag:s8] =	ssyncset.done $0x0  }
0x11e: {  	[sflag:s8] =	ssyncadd.s32 $0xFFFFFFB0  }
0x11f: {  	[spmem:s1] =	stream.indirect.scatter.add.f32 [tilespmem:s20], [sflag:$0x7], $0x80, s21, s21, $0xb8;
	[tilespmem:$0x1DD78] =	vst v63  }
0x120: {  	_ =	swait.ge [sflag:s28], $0x2800  }
0x121: {  	[sflag:s28] =	ssyncset.done $0x0  }
0x122: {  	[sflag:s28] =	ssyncadd.s32 $0xFFFFD800  }
0x123: {  	v1 =	vld [tilespmem:$0x50];
	_ =	sdelay $0x7  }
0x124: {  	[tilespmem:v1+s30+$0x0] =	vst.idx.add.f32.msk $0xffff, v0  }
0x125: {  	v1 =	vld [tilespmem:$0x60];
	_ =	sdelay $0x7  }
0x126: {  	[tilespmem:v1+s30+$0x0] =	vst.idx.add.f32.msk $0xffff, v0  }
0x127: {  	v1 =	vld [tilespmem:$0x70];
	_ =	sdelay $0x7  }
0x128: {  	[tilespmem:v1+s30+$0x0] =	vst.idx.add.f32.msk $0xffff, v0  }
0x129: {  	v1 =	vld [tilespmem:$0x80];
	_ =	sdelay $0x7  }
0x12a: {  	[tilespmem:v1+s30+$0x0] =	vst.idx.add.f32.msk $0xffff, v0  }
0x12b: {  	v1 =	vld [tilespmem:$0x90];
	_ =	sdelay $0x4  }
0x12c: {  	s17 =	rddreg [dreg:$0x11]  }
0x12d: {  	s18 =	rddreg [dreg:$0xb]  }
0x12e: {  	s4 =	rddreg [dreg:$0x14]  }
0x12f: {  	s13 =	rddreg [dreg:$0x13];
	[tilespmem:v1+s30+$0x0] =	vst.idx.add.f32.msk $0xffff, v0  }
0x130: {  	[tilespmem:s20], [sflag:$0x2] =	stream.linear.gather [hbm4b:s17+s12], $0x2800, $0x38;
	[tilespmem:$0x1DD78] =	vst v63  }
0x131: {  	s15 =	simm.s32 $0x0;
	s14 =	rddreg [dreg:$0x12]  }
0x132: {  	[tilespmem:s21], [sflag:$0x5] =	stream.linear.gather [hbm4b:s18+s12], $0x50, $0x38;
	[tilespmem:$0x1DD78] =	vst v63  }
.LBB2_2:
0x133: {  	_ =	swait.ge [sflag:s29], $0x2800  }
0x134: {  	[sflag:s29] =	ssyncset.done $0x0  }
0x135: {  	[sflag:s29] =	ssyncadd.s32 $0xFFFFD800  }
0x136: {  	_ =	swait.ge [sflag:s31], $0x50  }
0x137: {  	[sflag:s31] =	ssyncset.done $0x0  }
0x138: {  	[sflag:s31] =	ssyncadd.s32 $0xFFFFFFB0  }
0x139: {  	[spmem:s1] =	stream.indirect.scatter.add.f32 [tilespmem:s23], [sflag:$0x7], $0x80, s25, s21, $0xb8;
	[tilespmem:$0x1DD78] =	vst v63  }
0x13a: {  	_ =	swait.ge [sflag:s28], $0x2800  }
0x13b: {  	[sflag:s28] =	ssyncset.done $0x0  }
0x13c: {  	[sflag:s28] =	ssyncadd.s32 $0xFFFFD800  }
0x13d: {  	v1 =	vld [tilespmem:$0xA0];
	_ =	sdelay $0x7  }
0x13e: {  	[tilespmem:v1+s30+$0x0] =	vst.idx.add.f32.msk $0xffff, v0  }
0x13f: {  	v1 =	vld [tilespmem:$0xB0];
	_ =	sdelay $0x7  }
0x140: {  	[tilespmem:v1+s30+$0x0] =	vst.idx.add.f32.msk $0xffff, v0  }
0x141: {  	v1 =	vld [tilespmem:$0xC0];
	_ =	sdelay $0x7  }
0x142: {  	[tilespmem:v1+s30+$0x0] =	vst.idx.add.f32.msk $0xffff, v0  }
0x143: {  	v1 =	vld [tilespmem:$0xD0];
	_ =	sdelay $0x7  }
0x144: {  	[tilespmem:v1+s30+$0x0] =	vst.idx.add.f32.msk $0xffff, v0  }
0x145: {  	v1 =	vld [tilespmem:$0xE0];
	_ =	sdelay $0x6  }
0x146: {  	p1 =	seq.s32 s15, $0x4B0  }
0x147: {  	s16 =	simm.s32 @!p1 $0x0;
	s17 =	simm.s32 @!p1 $0x50F0;
	[tilespmem:v1+s30+$0x0] =	vst.idx.add.f32.msk $0xffff, v0  }
0x148: {  	[tilespmem:s17], [sflag:$0x3] =	stream.linear.gather @!p1 [hbm4b:s4+s16], $0x2800, $0x38;
	[tilespmem:$0x1DD78] =	vst v63  }
0x149: {  	s18 =	simm.s32 @!p1 $0xA0;
	s17 =	sadd.s32 @!p1 s15, s11  }
0x14a: {  	[tilespmem:s18], [sflag:$0x6] =	stream.linear.gather @!p1 [hbm4b:s17+s16], $0x50, $0x38;
	[tilespmem:$0x1DD78] =	vst v63  }
0x14b: {  	_ =	swait.ge [sflag:s5], $0x2800  }
0x14c: {  	[sflag:s5] =	ssyncset.done $0x0  }
0x14d: {  	[sflag:s5] =	ssyncadd.s32 $0xFFFFD800  }
0x14e: {  	_ =	swait.ge [sflag:s6], $0x50  }
0x14f: {  	[sflag:s6] =	ssyncset.done $0x0  }
0x150: {  	[sflag:s6] =	ssyncadd.s32 $0xFFFFFFB0  }
0x151: {  	[spmem:s1] =	stream.indirect.scatter.add.f32 [tilespmem:s26], [sflag:$0x7], $0x80, s12, s21, $0xb8;
	[tilespmem:$0x1DD78] =	vst v63  }
0x152: {  	_ =	swait.ge [sflag:s28], $0x2800  }
0x153: {  	[sflag:s28] =	ssyncset.done $0x0  }
0x154: {  	[sflag:s28] =	ssyncadd.s32 $0xFFFFD800  }
0x155: {  	v1 =	vld [tilespmem:$0x0];
	_ =	sdelay $0x7  }
0x156: {  	[tilespmem:v1+s30+$0x0] =	vst.idx.add.f32.msk $0xffff, v0  }
0x157: {  	v1 =	vld [tilespmem:$0x10];
	_ =	sdelay $0x7  }
0x158: {  	[tilespmem:v1+s30+$0x0] =	vst.idx.add.f32.msk $0xffff, v0  }
0x159: {  	v1 =	vld [tilespmem:$0x20];
	_ =	sdelay $0x7  }
0x15a: {  	[tilespmem:v1+s30+$0x0] =	vst.idx.add.f32.msk $0xffff, v0  }
0x15b: {  	v1 =	vld [tilespmem:$0x30];
	_ =	sdelay $0x7  }
0x15c: {  	[tilespmem:v1+s30+$0x0] =	vst.idx.add.f32.msk $0xffff, v0  }
0x15d: {  	v1 =	vld [tilespmem:$0x40];
	_ =	sdelay $0x7  }
0x15e: {  	s17 =	simm.s32 @!p1 $0xF0;
	[tilespmem:v1+s30+$0x0] =	vst.idx.add.f32.msk $0xffff, v0  }
0x15f: {  	[tilespmem:s17], [sflag:$0x1] =	stream.linear.gather @!p1 [hbm4b:s13+s16], $0x2800, $0x38;
	[tilespmem:$0x1DD78] =	vst v63  }
0x160: {  	s17 =	sadd.s32 @!p1 s15, s10  }
0x161: {  	[tilespmem:s16], [sflag:$0x4] =	stream.linear.gather @!p1 [hbm4b:s17+s16], $0x50, $0x38;
	[tilespmem:$0x1DD78] =	vst v63  }
0x162: {  	_ =	swait.ge [sflag:s7], $0x2800  }
0x163: {  	[sflag:s7] =	ssyncset.done $0x0  }
0x164: {  	[sflag:s7] =	ssyncadd.s32 $0xFFFFD800  }
0x165: {  	_ =	swait.ge [sflag:s8], $0x50  }
0x166: {  	[sflag:s8] =	ssyncset.done $0x0  }
0x167: {  	[sflag:s8] =	ssyncadd.s32 $0xFFFFFFB0  }
0x168: {  	[spmem:s1] =	stream.indirect.scatter.add.f32 [tilespmem:s20], [sflag:$0x7], $0x80, s21, s21, $0xb8;
	[tilespmem:$0x1DD78] =	vst v63  }
0x169: {  	_ =	swait.ge [sflag:s28], $0x2800  }
0x16a: {  	[sflag:s28] =	ssyncset.done $0x0  }
0x16b: {  	[sflag:s28] =	ssyncadd.s32 $0xFFFFD800  }
0x16c: {  	v1 =	vld [tilespmem:$0x50];
	_ =	sdelay $0x7  }
0x16d: {  	[tilespmem:v1+s30+$0x0] =	vst.idx.add.f32.msk $0xffff, v0  }
0x16e: {  	v1 =	vld [tilespmem:$0x60];
	_ =	sdelay $0x7  }
0x16f: {  	[tilespmem:v1+s30+$0x0] =	vst.idx.add.f32.msk $0xffff, v0  }
0x170: {  	v1 =	vld [tilespmem:$0x70];
	_ =	sdelay $0x7  }
0x171: {  	[tilespmem:v1+s30+$0x0] =	vst.idx.add.f32.msk $0xffff, v0  }
0x172: {  	v1 =	vld [tilespmem:$0x80];
	_ =	sdelay $0x7  }
0x173: {  	[tilespmem:v1+s30+$0x0] =	vst.idx.add.f32.msk $0xffff, v0  }
0x174: {  	v1 =	vld [tilespmem:$0x90];
	_ =	sdelay $0x3  }
.Ltmp2:
0x175: {  	_ = 	snop;
	(pc) =	sbr.rel @p1 .LBB2_4-.Ltmp2, $2  }
0x176: {  	_ =	sdelay $0x2  }
0x177: {  	[tilespmem:v1+s30+$0x0] =	vst.idx.add.f32.msk $0xffff, v0  }
.Ltmp3:
0x178: {  	(pc) =	sbr.rel .LBB2_2-.Ltmp3, $4  }
0x179: {  	[tilespmem:s20], [sflag:$0x2] =	stream.linear.gather [hbm4b:s14+s12], $0x2800, $0x38;
	[tilespmem:$0x1DD78] =	vst v63  }
0x17a: {  	s16 =	sadd.s32 s15, s9;
	s15 =	sadd.s32 $0x1E, s15  }
0x17b: {  	s14 =	sadd.s32 $0xF00, s14;
	s13 =	sadd.s32 $0xF00, s13;
	s4 =	sadd.s32 $0xF00, s4  }
0x17c: {  	[tilespmem:s21], [sflag:$0x5] =	stream.linear.gather [hbm4b:s16+s12], $0x50, $0x38;
	[tilespmem:$0x1DD78] =	vst v63  }
.LBB2_5:
0x17d: {  	_ =	sfence.sel $0x180000  }
0x17e: {  	[bflag:$0x0] =	sbarrier.arrive $0xFFFF  }
0x17f: {  	_ =	strace $0x90000047  }
0x180: {  	[bflag:$0x2] =	sbarrier.arrive $0xFFFF  }
0x181: {  	s0 =	rddreg [dreg:$0x6]  }
0x182: {  	s0 =	sadd.s32 @!p0 $0x100000, s0  }
0x183: {  	[sflag:s0] =	ssyncadd.tile.s32 @!p0 $0x1;
	_ =	shalt  }
.Lfunc_end2:
_tile_overlayer_lowered:
.L_overlay_start_2:
0x184: {  	(tag) =	ssettag $0x2  }
0x185: {  	s0 =	rddreg [dreg:$0x0];
	s2 =	stileid.u32  }
0x186: {  	s1 =	rddreg [dreg:$0x1];
	p0 =	sne.s32 s2, $0x0  }
0x187: {  	s3 =	rddreg [dreg:$0x2];
	[bflag:$0x3] =	sbarrier.arrive $0xFFFF;
	s2 =	simm.s32 @!p0 $0x1C07  }
0x188: {  	[timem:s3], [sflag:s2] =	dma.local @!p0 [hbm:s0], s1  }
0x189: {  	s0 =	simm.s32 @!p0 $0x7  }
0x18a: {  	_ =	swait.ge @!p0 [sflag:s0], s1  }
0x18b: {  	s1 =	ssub.s32 @!p0 $0x0, s1;
	[sflag:s0] =	ssyncset.done @!p0 $0x0  }
0x18c: {  	[sflag:s0] =	ssyncadd.s32 @!p0 s1  }
0x18d: {  	[bflag:$0x3] =	sbarrier.arrive $0xFFFF  }
0x18e: {  	_ =	shalt  }

</sc_bundles>
